<compile_context>
chip_gen: v7x
topology: tpu7x:2x2x1
jax: 0.10.2.dev20260603
libtpu: 0.0.44.dev20260713+nightly
codegen_flags: <defaults>
</compile_context>

<pallas_src>
import jax
import jax.numpy as jnp
from jax import lax
from jax.experimental import pallas as pl
from jax.experimental.pallas import tpu as pltpu
from jax.experimental.pallas import tpu_sc as plsc

EMB = 256
N = 160000
NCORES = 2
NSUB = 16
NW = NCORES * NSUB
PER = 5120
NPAD = NW * PER
C = 128
D0, D1, D2 = 5, 6, 2
NCOMB = D0 * D1 * D2
LANES = 16


def _sc_body(a_hbm, b_hbm, c_hbm, w0_hbm, w1_hbm, w2_hbm, out_hbm,
             av, bv, cv, idxc, w0v, w1v, w2v, combv, combs, outv,
             gsem, wsem):
    cid = lax.axis_index("c")
    sid = lax.axis_index("s")
    wid = cid * NSUB + sid
    base = wid * PER
    cnt = jnp.minimum(PER, N - base)
    nchunks = cnt // C

    pltpu.async_copy(w0_hbm, w0v, gsem.at[0])
    pltpu.async_copy(w1_hbm, w1v, gsem.at[0])
    pltpu.async_copy(w2_hbm, w2v, gsem.at[0])
    pltpu.async_copy(a_hbm.at[pl.ds(base, PER)], av, gsem.at[1])
    pltpu.async_copy(b_hbm.at[pl.ds(base, PER)], bv, gsem.at[1])
    pltpu.async_copy(c_hbm.at[pl.ds(base, PER)], cv, gsem.at[1])
    pltpu.make_async_copy(w0_hbm, w0v, gsem.at[0]).wait()
    pltpu.make_async_copy(w1_hbm, w1v, gsem.at[0]).wait()
    pltpu.make_async_copy(w2_hbm, w2v, gsem.at[0]).wait()

    iot = lax.iota(jnp.int32, LANES)

    @pl.when(sid < NCOMB // 4)
    def _build_part():
        start = sid * 4

        def build(t, carry):
            k = start + t
            a = k // (D1 * D2)
            r = k - a * (D1 * D2)
            b = r // D2
            c = r - b * D2
            af = jnp.full((LANES,), a, jnp.int32)
            bf = jnp.full((LANES,), b, jnp.int32)
            cf = jnp.full((LANES,), c, jnp.int32)
            kf = jnp.full((LANES,), k, jnp.int32)
            for j in range(EMB // LANES):
                col = iot + j * LANES
                v = (plsc.load_gather(w0v, [af, col]) +
                     plsc.load_gather(w1v, [bf, col]) +
                     plsc.load_gather(w2v, [cf, col]))
                plsc.store_scatter(combv, [kf, col], v)
            return carry

        lax.fori_loop(0, 4, build, 0)
        pltpu.sync_copy(combv.at[pl.ds(start, 4)], combs.at[pl.ds(start, 4)])

    plsc.subcore_barrier()

    pltpu.make_async_copy(a_hbm.at[pl.ds(base, PER)], av, gsem.at[1]).wait()
    pltpu.make_async_copy(b_hbm.at[pl.ds(base, PER)], bv, gsem.at[1]).wait()
    pltpu.make_async_copy(c_hbm.at[pl.ds(base, PER)], cv, gsem.at[1]).wait()

    def idx_chunk(i, b):
        lb = i * C

        def grp(g, carry):
            off = lb + g * LANES
            a16 = av[pl.ds(off, LANES)]
            b16 = bv[pl.ds(off, LANES)]
            c16 = cv[pl.ds(off, LANES)]
            idxc[b, pl.ds(g * LANES, LANES)] = (
                a16 * (D1 * D2) + b16 * D2 + c16)
            return carry

        lax.fori_loop(0, C // LANES, grp, 0)

    def issue_gather(i, b):
        pltpu.async_copy(combs.at[idxc.at[b]], outv.at[b], gsem.at[b])

    def wait_gather(i, b):
        pltpu.make_async_copy(combs.at[idxc.at[b]], outv.at[b],
                              gsem.at[b]).wait()

    def issue_write(i, b):
        pltpu.async_copy(outv.at[b], out_hbm.at[pl.ds(base + i * C, C)],
                         wsem.at[b])

    def wait_write(i, b):
        pltpu.make_async_copy(outv.at[b], out_hbm.at[pl.ds(base + i * C, C)],
                              wsem.at[b]).wait()

    idx_chunk(0, 0)
    issue_gather(0, 0)

    def pipe(ip, carry):
        for b in range(2):
            i = ip * 2 + b
            b2 = 1 - b

            @pl.when(i >= 1)
            def _free_other():
                wait_write(i - 1, b2)

            @pl.when(i < nchunks - 1)
            def _prefetch_next():
                idx_chunk(i + 1, b2)
                issue_gather(i + 1, b2)

            wait_gather(i, b)
            issue_write(i, b)
        return carry

    lax.fori_loop(0, nchunks // 2, pipe, 0)
    wait_write(nchunks - 1, 1)



@jax.jit
def _run(a, b, c, w0, w1, w2):
    mesh = plsc.VectorSubcoreMesh(core_axis_name="c", subcore_axis_name="s")
    f = pl.kernel(
        _sc_body,
        out_type=jax.ShapeDtypeStruct((N, EMB), jnp.float32),
        mesh=mesh,
        scratch_types=[
            pltpu.VMEM((PER,), jnp.int32),
            pltpu.VMEM((PER,), jnp.int32),
            pltpu.VMEM((PER,), jnp.int32),
            pltpu.VMEM((2, C), jnp.int32),
            pltpu.VMEM((D0, EMB), jnp.float32),
            pltpu.VMEM((D1, EMB), jnp.float32),
            pltpu.VMEM((D2, EMB), jnp.float32),
            pltpu.VMEM((NCOMB, EMB), jnp.float32),
            pltpu.VMEM_SHARED((NCOMB, EMB), jnp.float32),
            pltpu.VMEM((2, C, EMB), jnp.float32),
            pltpu.SemaphoreType.DMA((2,)),
            pltpu.SemaphoreType.DMA((2,)),
        ],
        compiler_params=pltpu.CompilerParams(
            use_tc_tiling_on_sc=False, needs_layout_passes=False),
    )
    return f(a, b, c, w0, w1, w2)


def kernel(edge_attr, w0, w1, w2):
    pad = NPAD - N
    a = jnp.pad(edge_attr[:, 0], (0, pad))
    b = jnp.pad(edge_attr[:, 1], (0, pad))
    c = jnp.pad(edge_attr[:, 2], (0, pad))
    return _run(a, b, c, w0, w1, w2)

# --- scband reference (transcript-rebuilt; emitter-appended) ---
"""Pipeline reference for scband-edge-encoder-62225486184590 (READ-ONLY COPY).

The authoritative reference and input builder live on the scoring server;
editing this copy changes nothing except your own understanding.
"""

import jax, jax.numpy as jnp
import numpy as np

FULL_EDGE_FEATURE_DIMS = [5, 6, 2]
EMB_DIM = 256
N_EDGES = 160000

def _xavier(key, fan_in, fan_out):
    bound = float(np.sqrt(6.0 / (fan_in + fan_out)))
    return jax.random.uniform(key, (fan_in, fan_out), minval=-bound, maxval=bound, dtype=jnp.float32)

def setup_inputs(seed: int = 0) -> dict:
    key = jax.random.key(seed)
    keys = jax.random.split(key, 1 + len(FULL_EDGE_FEATURE_DIMS))
    # each column indexes a different table; values in [0, 2) are in-range for all tables (min dim = 2)
    edge_attr = jax.random.randint(keys[0], (N_EDGES, len(FULL_EDGE_FEATURE_DIMS)), 0, 2, dtype=jnp.int32)
    inp = {"edge_attr": edge_attr}
    for i, d in enumerate(FULL_EDGE_FEATURE_DIMS):
        inp[f"w{i}"] = _xavier(keys[1 + i], d, EMB_DIM)
    return inp

def reference(edge_attr, w0, w1, w2):
    tables = [w0, w1, w2]
    edge_embedding = jnp.zeros((edge_attr.shape[0], EMB_DIM), dtype=jnp.float32)
    for i in range(edge_attr.shape[1]):
        edge_embedding = edge_embedding + jnp.take(tables[i], edge_attr[:, i], axis=0)
    return edge_embedding

if __name__ == "__main__":
    import jax
    _d = setup_inputs()
    print(jax.jit(kernel)(*tuple(_d.values())))

</pallas_src>

<mosaic_0001>
#map = affine_map<(d0, d1) -> (0)>
#map1 = affine_map<(d0, d1) -> (0, 0)>
module attributes {stable_mosaic.version = 14 : i64} {
  func.func @_sc_body(%arg0: i32, %arg1: i32, %arg2: memref<163840xi32, #tpu.memory_space<hbm>>, %arg3: memref<163840xi32, #tpu.memory_space<hbm>>, %arg4: memref<163840xi32, #tpu.memory_space<hbm>>, %arg5: memref<5x256xf32, #tpu.memory_space<hbm>>, %arg6: memref<6x256xf32, #tpu.memory_space<hbm>>, %arg7: memref<2x256xf32, #tpu.memory_space<hbm>>, %arg8: memref<160000x256xf32, #tpu.memory_space<hbm>>, %arg9: memref<5120xi32, #tpu.memory_space<vmem>>, %arg10: memref<5120xi32, #tpu.memory_space<vmem>>, %arg11: memref<5120xi32, #tpu.memory_space<vmem>>, %arg12: memref<2x128xi32, #tpu.memory_space<vmem>>, %arg13: memref<5x256xf32, #tpu.memory_space<vmem>>, %arg14: memref<6x256xf32, #tpu.memory_space<vmem>>, %arg15: memref<2x256xf32, #tpu.memory_space<vmem>>, %arg16: memref<60x256xf32, #tpu.memory_space<vmem>>, %arg17: memref<60x256xf32, #tpu.memory_space<vmem_shared>>, %arg18: memref<2x128x256xf32, #tpu.memory_space<vmem>>, %arg19: memref<2x!tpu.dma_semaphore, #tpu.memory_space<semaphore_mem>>, %arg20: memref<2x!tpu.dma_semaphore, #tpu.memory_space<semaphore_mem>>) attributes {dimension_semantics = [#tpu.dimension_semantics<core_parallel>, #tpu.dimension_semantics<subcore_parallel>], iteration_bounds = array<i64: 2, 16>, scalar_prefetch = 0 : i64, scratch_operands = 12 : i64, tpu.core_type = #tpu.core_type<sc_vector_subcore>, window_params = [{transform_indices = #map}, {transform_indices = #map}, {transform_indices = #map}, {transform_indices = #map1}, {transform_indices = #map1}, {transform_indices = #map1}, {transform_indices = #map1}]} {
    %mul3A = arith.constant 16 : i32
    %mul3A_0 = arith.muli %arg0, %mul3A : i32
    %add3A = arith.addi %mul3A_0, %arg1 : i32
    %mul3A_1 = arith.constant 5120 : i32
    %mul3A_2 = arith.muli %add3A, %mul3A_1 : i32
    %sub3A = arith.constant 160000 : i32
    %sub3A_3 = arith.subi %sub3A, %mul3A_2 : i32
    %min3A = arith.constant 5120 : i32
    %min3A_4 = arith.minsi %min3A, %sub3A_3 : i32
    %jit3A = arith.constant 128 : i32
    %div3A = arith.divsi %min3A_4, %jit3A : i32
    %sign3A = arith.constant 0 : i32
    %sign3A_5 = arith.cmpi sgt, %min3A_4, %sign3A : i32
    %sign3A_6 = arith.extui %sign3A_5 : i1 to i32
    %sign3A_7 = arith.constant 0 : i32
    %sign3A_8 = arith.cmpi slt, %min3A_4, %sign3A_7 : i32
    %sign3A_9 = arith.extui %sign3A_8 : i1 to i32
    %sign3A_10 = arith.subi %sign3A_6, %sign3A_9 : i32
    %sign3A_11 = arith.constant 0 : i32
    %sign3A_12 = arith.cmpi sgt, %jit3A, %sign3A_11 : i32
    %sign3A_13 = arith.extui %sign3A_12 : i1 to i32
    %sign3A_14 = arith.constant 0 : i32
    %sign3A_15 = arith.cmpi slt, %jit3A, %sign3A_14 : i32
    %sign3A_16 = arith.extui %sign3A_15 : i1 to i32
    %sign3A_17 = arith.subi %sign3A_13, %sign3A_16 : i32
    %ne3A = arith.cmpi ne, %sign3A_10, %sign3A_17 : i32
    %rem3A = arith.remsi %min3A_4, %jit3A : i32
    %ne3A_18 = arith.constant 0 : i32
    %ne3A_19 = arith.cmpi ne, %rem3A, %ne3A_18 : i32
    %and3A = arith.andi %ne3A, %ne3A_19 : i1
    %sub3A_20 = arith.constant 1 : i32
    %sub3A_21 = arith.subi %div3A, %sub3A_20 : i32
    %select_n3A = arith.select %and3A, %sub3A_21, %div3A : i32
    %dma_start3A = arith.constant 0 : i32
    %dma_start3A_22 = tpu.memref_slice %arg19[%dma_start3A] : memref<2x!tpu.dma_semaphore, #tpu.memory_space<semaphore_mem>> -> memref<1x!tpu.dma_semaphore, #tpu.memory_space<semaphore_mem>>
    %dma_start3A_23 = tpu.memref_squeeze %dma_start3A_22 : memref<1x!tpu.dma_semaphore, #tpu.memory_space<semaphore_mem>> -> memref<!tpu.dma_semaphore, #tpu.memory_space<semaphore_mem>>
    tpu.enqueue_dma source(%arg5 : memref<5x256xf32, #tpu.memory_space<hbm>>) target(%arg13 : memref<5x256xf32, #tpu.memory_space<vmem>>) target_semaphore(%dma_start3A_23 : memref<!tpu.dma_semaphore, #tpu.memory_space<semaphore_mem>>)
    %dma_start3A_24 = arith.constant 0 : i32
    %dma_start3A_25 = tpu.memref_slice %arg19[%dma_start3A_24] : memref<2x!tpu.dma_semaphore, #tpu.memory_space<semaphore_mem>> -> memref<1x!tpu.dma_semaphore, #tpu.memory_space<semaphore_mem>>
    %dma_start3A_26 = tpu.memref_squeeze %dma_start3A_25 : memref<1x!tpu.dma_semaphore, #tpu.memory_space<semaphore_mem>> -> memref<!tpu.dma_semaphore, #tpu.memory_space<semaphore_mem>>
    tpu.enqueue_dma source(%arg6 : memref<6x256xf32, #tpu.memory_space<hbm>>) target(%arg14 : memref<6x256xf32, #tpu.memory_space<vmem>>) target_semaphore(%dma_start3A_26 : memref<!tpu.dma_semaphore, #tpu.memory_space<semaphore_mem>>)
    %dma_start3A_27 = arith.constant 0 : i32
    %dma_start3A_28 = tpu.memref_slice %arg19[%dma_start3A_27] : memref<2x!tpu.dma_semaphore, #tpu.memory_space<semaphore_mem>> -> memref<1x!tpu.dma_semaphore, #tpu.memory_space<semaphore_mem>>
    %dma_start3A_29 = tpu.memref_squeeze %dma_start3A_28 : memref<1x!tpu.dma_semaphore, #tpu.memory_space<semaphore_mem>> -> memref<!tpu.dma_semaphore, #tpu.memory_space<semaphore_mem>>
    tpu.enqueue_dma source(%arg7 : memref<2x256xf32, #tpu.memory_space<hbm>>) target(%arg15 : memref<2x256xf32, #tpu.memory_space<vmem>>) target_semaphore(%dma_start3A_29 : memref<!tpu.dma_semaphore, #tpu.memory_space<semaphore_mem>>)
    %dma_start3A_30 = arith.constant 1 : i32
    %dma_start3A_31 = tpu.memref_slice %arg2[%mul3A_2] : memref<163840xi32, #tpu.memory_space<hbm>> -> memref<5120xi32, #tpu.memory_space<hbm>>
    %dma_start3A_32 = tpu.memref_slice %arg19[%dma_start3A_30] : memref<2x!tpu.dma_semaphore, #tpu.memory_space<semaphore_mem>> -> memref<1x!tpu.dma_semaphore, #tpu.memory_space<semaphore_mem>>
    %dma_start3A_33 = tpu.memref_squeeze %dma_start3A_32 : memref<1x!tpu.dma_semaphore, #tpu.memory_space<semaphore_mem>> -> memref<!tpu.dma_semaphore, #tpu.memory_space<semaphore_mem>>
    %dma_start3A_34 = tpu.memref_slice %arg2[%mul3A_2] : memref<163840xi32, #tpu.memory_space<hbm>> -> memref<5120xi32, #tpu.memory_space<hbm>>
    tpu.enqueue_dma source(%dma_start3A_34 : memref<5120xi32, #tpu.memory_space<hbm>>) target(%arg9 : memref<5120xi32, #tpu.memory_space<vmem>>) target_semaphore(%dma_start3A_33 : memref<!tpu.dma_semaphore, #tpu.memory_space<semaphore_mem>>)
    %dma_start3A_35 = arith.constant 1 : i32
    %dma_start3A_36 = tpu.memref_slice %arg3[%mul3A_2] : memref<163840xi32, #tpu.memory_space<hbm>> -> memref<5120xi32, #tpu.memory_space<hbm>>
    %dma_start3A_37 = tpu.memref_slice %arg19[%dma_start3A_35] : memref<2x!tpu.dma_semaphore, #tpu.memory_space<semaphore_mem>> -> memref<1x!tpu.dma_semaphore, #tpu.memory_space<semaphore_mem>>
    %dma_start3A_38 = tpu.memref_squeeze %dma_start3A_37 : memref<1x!tpu.dma_semaphore, #tpu.memory_space<semaphore_mem>> -> memref<!tpu.dma_semaphore, #tpu.memory_space<semaphore_mem>>
    %dma_start3A_39 = tpu.memref_slice %arg3[%mul3A_2] : memref<163840xi32, #tpu.memory_space<hbm>> -> memref<5120xi32, #tpu.memory_space<hbm>>
    tpu.enqueue_dma source(%dma_start3A_39 : memref<5120xi32, #tpu.memory_space<hbm>>) target(%arg10 : memref<5120xi32, #tpu.memory_space<vmem>>) target_semaphore(%dma_start3A_38 : memref<!tpu.dma_semaphore, #tpu.memory_space<semaphore_mem>>)
    %dma_start3A_40 = arith.constant 1 : i32
    %dma_start3A_41 = tpu.memref_slice %arg4[%mul3A_2] : memref<163840xi32, #tpu.memory_space<hbm>> -> memref<5120xi32, #tpu.memory_space<hbm>>
    %dma_start3A_42 = tpu.memref_slice %arg19[%dma_start3A_40] : memref<2x!tpu.dma_semaphore, #tpu.memory_space<semaphore_mem>> -> memref<1x!tpu.dma_semaphore, #tpu.memory_space<semaphore_mem>>
    %dma_start3A_43 = tpu.memref_squeeze %dma_start3A_42 : memref<1x!tpu.dma_semaphore, #tpu.memory_space<semaphore_mem>> -> memref<!tpu.dma_semaphore, #tpu.memory_space<semaphore_mem>>
    %dma_start3A_44 = tpu.memref_slice %arg4[%mul3A_2] : memref<163840xi32, #tpu.memory_space<hbm>> -> memref<5120xi32, #tpu.memory_space<hbm>>
    tpu.enqueue_dma source(%dma_start3A_44 : memref<5120xi32, #tpu.memory_space<hbm>>) target(%arg11 : memref<5120xi32, #tpu.memory_space<vmem>>) target_semaphore(%dma_start3A_43 : memref<!tpu.dma_semaphore, #tpu.memory_space<semaphore_mem>>)
    %dma_wait3A = arith.constant 0 : i32
    %dma_wait3A_45 = tpu.memref_slice %arg19[%dma_wait3A] : memref<2x!tpu.dma_semaphore, #tpu.memory_space<semaphore_mem>> -> memref<1x!tpu.dma_semaphore, #tpu.memory_space<semaphore_mem>>
    %dma_wait3A_46 = tpu.memref_squeeze %dma_wait3A_45 : memref<1x!tpu.dma_semaphore, #tpu.memory_space<semaphore_mem>> -> memref<!tpu.dma_semaphore, #tpu.memory_space<semaphore_mem>>
    tpu.wait_dma2 semaphore(%dma_wait3A_46 : memref<!tpu.dma_semaphore, #tpu.memory_space<semaphore_mem>>) src(%arg5 : memref<5x256xf32, #tpu.memory_space<hbm>>) dst(%arg13 : memref<5x256xf32, #tpu.memory_space<vmem>>)
    %dma_wait3A_47 = arith.constant 0 : i32
    %dma_wait3A_48 = tpu.memref_slice %arg19[%dma_wait3A_47] : memref<2x!tpu.dma_semaphore, #tpu.memory_space<semaphore_mem>> -> memref<1x!tpu.dma_semaphore, #tpu.memory_space<semaphore_mem>>
    %dma_wait3A_49 = tpu.memref_squeeze %dma_wait3A_48 : memref<1x!tpu.dma_semaphore, #tpu.memory_space<semaphore_mem>> -> memref<!tpu.dma_semaphore, #tpu.memory_space<semaphore_mem>>
    tpu.wait_dma2 semaphore(%dma_wait3A_49 : memref<!tpu.dma_semaphore, #tpu.memory_space<semaphore_mem>>) src(%arg6 : memref<6x256xf32, #tpu.memory_space<hbm>>) dst(%arg14 : memref<6x256xf32, #tpu.memory_space<vmem>>)
    %dma_wait3A_50 = arith.constant 0 : i32
    %dma_wait3A_51 = tpu.memref_slice %arg19[%dma_wait3A_50] : memref<2x!tpu.dma_semaphore, #tpu.memory_space<semaphore_mem>> -> memref<1x!tpu.dma_semaphore, #tpu.memory_space<semaphore_mem>>
    %dma_wait3A_52 = tpu.memref_squeeze %dma_wait3A_51 : memref<1x!tpu.dma_semaphore, #tpu.memory_space<semaphore_mem>> -> memref<!tpu.dma_semaphore, #tpu.memory_space<semaphore_mem>>
    tpu.wait_dma2 semaphore(%dma_wait3A_52 : memref<!tpu.dma_semaphore, #tpu.memory_space<semaphore_mem>>) src(%arg7 : memref<2x256xf32, #tpu.memory_space<hbm>>) dst(%arg15 : memref<2x256xf32, #tpu.memory_space<vmem>>)
    %iota3A = tpu.iota {dimensions = array<i32: 0>} : vector<16xi32>
    %lt3A = arith.constant 15 : i32
    %lt3A_53 = arith.cmpi slt, %arg1, %lt3A : i32
    %convert_element_type3A = arith.extui %lt3A_53 : i1 to i32
    %cond3A = arith.constant 0 : i32
    %cond3A_54 = arith.cmpi ne, %convert_element_type3A, %cond3A : i32
    scf.if %cond3A_54 {
      %mul3A_144 = arith.constant 4 : i32
      %mul3A_145 = arith.muli %arg1, %mul3A_144 : i32
      %scan3A_146 = arith.constant 0 : i32
      %scan3A_147 = arith.constant 0 : i32
      %scan3A_148 = arith.constant 4 : i32
      %scan3A_149 = arith.addi %scan3A_147, %scan3A_148 : i32
      %scan3A_150 = arith.constant 1 : i32
      scf.for %scan3A_152 = %scan3A_147 to %scan3A_149 step %scan3A_150  : i32 {
        %add3A_153 = arith.addi %mul3A_145, %scan3A_152 : i32
        %jit3A_154 = arith.constant 12 : i32
        %div3A_155 = arith.divsi %add3A_153, %jit3A_154 : i32
        %sign3A_156 = arith.constant 0 : i32
        %sign3A_157 = arith.cmpi sgt, %add3A_153, %sign3A_156 : i32
        %sign3A_158 = arith.extui %sign3A_157 : i1 to i32
        %sign3A_159 = arith.constant 0 : i32
        %sign3A_160 = arith.cmpi slt, %add3A_153, %sign3A_159 : i32
        %sign3A_161 = arith.extui %sign3A_160 : i1 to i32
        %sign3A_162 = arith.subi %sign3A_158, %sign3A_161 : i32
        %sign3A_163 = arith.constant 0 : i32
        %sign3A_164 = arith.cmpi sgt, %jit3A_154, %sign3A_163 : i32
        %sign3A_165 = arith.extui %sign3A_164 : i1 to i32
        %sign3A_166 = arith.constant 0 : i32
        %sign3A_167 = arith.cmpi slt, %jit3A_154, %sign3A_166 : i32
        %sign3A_168 = arith.extui %sign3A_167 : i1 to i32
        %sign3A_169 = arith.subi %sign3A_165, %sign3A_168 : i32
        %ne3A_170 = arith.cmpi ne, %sign3A_162, %sign3A_169 : i32
        %rem3A_171 = arith.remsi %add3A_153, %jit3A_154 : i32
        %ne3A_172 = arith.constant 0 : i32
        %ne3A_173 = arith.cmpi ne, %rem3A_171, %ne3A_172 : i32
        %and3A_174 = arith.andi %ne3A_170, %ne3A_173 : i1
        %sub3A_175 = arith.constant 1 : i32
        %sub3A_176 = arith.subi %div3A_155, %sub3A_175 : i32
        %select_n3A_177 = arith.select %and3A_174, %sub3A_176, %div3A_155 : i32
        %mul3A_178 = arith.constant 12 : i32
        %mul3A_179 = arith.muli %select_n3A_177, %mul3A_178 : i32
        %sub3A_180 = arith.subi %add3A_153, %mul3A_179 : i32
        %jit3A_181 = arith.constant 2 : i32
        %div3A_182 = arith.divsi %sub3A_180, %jit3A_181 : i32
        %sign3A_183 = arith.constant 0 : i32
        %sign3A_184 = arith.cmpi sgt, %sub3A_180, %sign3A_183 : i32
        %sign3A_185 = arith.extui %sign3A_184 : i1 to i32
        %sign3A_186 = arith.constant 0 : i32
        %sign3A_187 = arith.cmpi slt, %sub3A_180, %sign3A_186 : i32
        %sign3A_188 = arith.extui %sign3A_187 : i1 to i32
        %sign3A_189 = arith.subi %sign3A_185, %sign3A_188 : i32
        %sign3A_190 = arith.constant 0 : i32
        %sign3A_191 = arith.cmpi sgt, %jit3A_181, %sign3A_190 : i32
        %sign3A_192 = arith.extui %sign3A_191 : i1 to i32
        %sign3A_193 = arith.constant 0 : i32
        %sign3A_194 = arith.cmpi slt, %jit3A_181, %sign3A_193 : i32
        %sign3A_195 = arith.extui %sign3A_194 : i1 to i32
        %sign3A_196 = arith.subi %sign3A_192, %sign3A_195 : i32
        %ne3A_197 = arith.cmpi ne, %sign3A_189, %sign3A_196 : i32
        %rem3A_198 = arith.remsi %sub3A_180, %jit3A_181 : i32
        %ne3A_199 = arith.constant 0 : i32
        %ne3A_200 = arith.cmpi ne, %rem3A_198, %ne3A_199 : i32
        %and3A_201 = arith.andi %ne3A_197, %ne3A_200 : i1
        %sub3A_202 = arith.constant 1 : i32
        %sub3A_203 = arith.subi %div3A_182, %sub3A_202 : i32
        %select_n3A_204 = arith.select %and3A_201, %sub3A_203, %div3A_182 : i32
        %mul3A_205 = arith.constant 2 : i32
        %mul3A_206 = arith.muli %select_n3A_204, %mul3A_205 : i32
        %sub3A_207 = arith.subi %sub3A_180, %mul3A_206 : i32
        %broadcast_in_dim3A = vector.broadcast %select_n3A_177 : i32 to vector<16xi32>
        %broadcast_in_dim3A_208 = vector.broadcast %select_n3A_204 : i32 to vector<16xi32>
        %broadcast_in_dim3A_209 = vector.broadcast %sub3A_207 : i32 to vector<16xi32>
        %broadcast_in_dim3A_210 = vector.broadcast %add3A_153 : i32 to vector<16xi32>
        %add3A_211 = arith.constant 0 : i32
        %add3A_212 = vector.broadcast %add3A_211 : i32 to vector<16xi32>
        %add3A_213 = arith.addi %iota3A, %add3A_212 : vector<16xi32>
        %gather3A = tpu.vector_load_idx %arg13[%broadcast_in_dim3A, %add3A_213] : memref<5x256xf32, #tpu.memory_space<vmem>>[vector<16xi32>, vector<16xi32>], vector<16xf32>,
        %gather3A_214 = tpu.vector_load_idx %arg14[%broadcast_in_dim3A_208, %add3A_213] : memref<6x256xf32, #tpu.memory_space<vmem>>[vector<16xi32>, vector<16xi32>], vector<16xf32>,
        %add3A_215 = arith.addf %gather3A, %gather3A_214 : vector<16xf32>
        %gather3A_216 = tpu.vector_load_idx %arg15[%broadcast_in_dim3A_209, %add3A_213] : memref<2x256xf32, #tpu.memory_space<vmem>>[vector<16xi32>, vector<16xi32>], vector<16xf32>,
        %add3A_217 = arith.addf %add3A_215, %gather3A_216 : vector<16xf32>
        tpu.vector_store_idx %arg16[%broadcast_in_dim3A_210, %add3A_213], %add3A_217 : memref<60x256xf32, #tpu.memory_space<vmem>>[vector<16xi32>, vector<16xi32>], vector<16xf32>,
        %add3A_218 = arith.constant 16 : i32
        %add3A_219 = vector.broadcast %add3A_218 : i32 to vector<16xi32>
        %add3A_220 = arith.addi %iota3A, %add3A_219 : vector<16xi32>
        %gather3A_221 = tpu.vector_load_idx %arg13[%broadcast_in_dim3A, %add3A_220] : memref<5x256xf32, #tpu.memory_space<vmem>>[vector<16xi32>, vector<16xi32>], vector<16xf32>,
        %gather3A_222 = tpu.vector_load_idx %arg14[%broadcast_in_dim3A_208, %add3A_220] : memref<6x256xf32, #tpu.memory_space<vmem>>[vector<16xi32>, vector<16xi32>], vector<16xf32>,
        %add3A_223 = arith.addf %gather3A_221, %gather3A_222 : vector<16xf32>
        %gather3A_224 = tpu.vector_load_idx %arg15[%broadcast_in_dim3A_209, %add3A_220] : memref<2x256xf32, #tpu.memory_space<vmem>>[vector<16xi32>, vector<16xi32>], vector<16xf32>,
        %add3A_225 = arith.addf %add3A_223, %gather3A_224 : vector<16xf32>
        tpu.vector_store_idx %arg16[%broadcast_in_dim3A_210, %add3A_220], %add3A_225 : memref<60x256xf32, #tpu.memory_space<vmem>>[vector<16xi32>, vector<16xi32>], vector<16xf32>,
        %add3A_226 = arith.constant 32 : i32
        %add3A_227 = vector.broadcast %add3A_226 : i32 to vector<16xi32>
        %add3A_228 = arith.addi %iota3A, %add3A_227 : vector<16xi32>
        %gather3A_229 = tpu.vector_load_idx %arg13[%broadcast_in_dim3A, %add3A_228] : memref<5x256xf32, #tpu.memory_space<vmem>>[vector<16xi32>, vector<16xi32>], vector<16xf32>,
        %gather3A_230 = tpu.vector_load_idx %arg14[%broadcast_in_dim3A_208, %add3A_228] : memref<6x256xf32, #tpu.memory_space<vmem>>[vector<16xi32>, vector<16xi32>], vector<16xf32>,
        %add3A_231 = arith.addf %gather3A_229, %gather3A_230 : vector<16xf32>
        %gather3A_232 = tpu.vector_load_idx %arg15[%broadcast_in_dim3A_209, %add3A_228] : memref<2x256xf32, #tpu.memory_space<vmem>>[vector<16xi32>, vector<16xi32>], vector<16xf32>,
        %add3A_233 = arith.addf %add3A_231, %gather3A_232 : vector<16xf32>
        tpu.vector_store_idx %arg16[%broadcast_in_dim3A_210, %add3A_228], %add3A_233 : memref<60x256xf32, #tpu.memory_space<vmem>>[vector<16xi32>, vector<16xi32>], vector<16xf32>,
        %add3A_234 = arith.constant 48 : i32
        %add3A_235 = vector.broadcast %add3A_234 : i32 to vector<16xi32>
        %add3A_236 = arith.addi %iota3A, %add3A_235 : vector<16xi32>
        %gather3A_237 = tpu.vector_load_idx %arg13[%broadcast_in_dim3A, %add3A_236] : memref<5x256xf32, #tpu.memory_space<vmem>>[vector<16xi32>, vector<16xi32>], vector<16xf32>,
        %gather3A_238 = tpu.vector_load_idx %arg14[%broadcast_in_dim3A_208, %add3A_236] : memref<6x256xf32, #tpu.memory_space<vmem>>[vector<16xi32>, vector<16xi32>], vector<16xf32>,
        %add3A_239 = arith.addf %gather3A_237, %gather3A_238 : vector<16xf32>
        %gather3A_240 = tpu.vector_load_idx %arg15[%broadcast_in_dim3A_209, %add3A_236] : memref<2x256xf32, #tpu.memory_space<vmem>>[vector<16xi32>, vector<16xi32>], vector<16xf32>,
        %add3A_241 = arith.addf %add3A_239, %gather3A_240 : vector<16xf32>
        tpu.vector_store_idx %arg16[%broadcast_in_dim3A_210, %add3A_236], %add3A_241 : memref<60x256xf32, #tpu.memory_space<vmem>>[vector<16xi32>, vector<16xi32>], vector<16xf32>,
        %add3A_242 = arith.constant 64 : i32
        %add3A_243 = vector.broadcast %add3A_242 : i32 to vector<16xi32>
        %add3A_244 = arith.addi %iota3A, %add3A_243 : vector<16xi32>
        %gather3A_245 = tpu.vector_load_idx %arg13[%broadcast_in_dim3A, %add3A_244] : memref<5x256xf32, #tpu.memory_space<vmem>>[vector<16xi32>, vector<16xi32>], vector<16xf32>,
        %gather3A_246 = tpu.vector_load_idx %arg14[%broadcast_in_dim3A_208, %add3A_244] : memref<6x256xf32, #tpu.memory_space<vmem>>[vector<16xi32>, vector<16xi32>], vector<16xf32>,
        %add3A_247 = arith.addf %gather3A_245, %gather3A_246 : vector<16xf32>
        %gather3A_248 = tpu.vector_load_idx %arg15[%broadcast_in_dim3A_209, %add3A_244] : memref<2x256xf32, #tpu.memory_space<vmem>>[vector<16xi32>, vector<16xi32>], vector<16xf32>,
        %add3A_249 = arith.addf %add3A_247, %gather3A_248 : vector<16xf32>
        tpu.vector_store_idx %arg16[%broadcast_in_dim3A_210, %add3A_244], %add3A_249 : memref<60x256xf32, #tpu.memory_space<vmem>>[vector<16xi32>, vector<16xi32>], vector<16xf32>,
        %add3A_250 = arith.constant 80 : i32
        %add3A_251 = vector.broadcast %add3A_250 : i32 to vector<16xi32>
        %add3A_252 = arith.addi %iota3A, %add3A_251 : vector<16xi32>
        %gather3A_253 = tpu.vector_load_idx %arg13[%broadcast_in_dim3A, %add3A_252] : memref<5x256xf32, #tpu.memory_space<vmem>>[vector<16xi32>, vector<16xi32>], vector<16xf32>,
        %gather3A_254 = tpu.vector_load_idx %arg14[%broadcast_in_dim3A_208, %add3A_252] : memref<6x256xf32, #tpu.memory_space<vmem>>[vector<16xi32>, vector<16xi32>], vector<16xf32>,
        %add3A_255 = arith.addf %gather3A_253, %gather3A_254 : vector<16xf32>
        %gather3A_256 = tpu.vector_load_idx %arg15[%broadcast_in_dim3A_209, %add3A_252] : memref<2x256xf32, #tpu.memory_space<vmem>>[vector<16xi32>, vector<16xi32>], vector<16xf32>,
        %add3A_257 = arith.addf %add3A_255, %gather3A_256 : vector<16xf32>
        tpu.vector_store_idx %arg16[%broadcast_in_dim3A_210, %add3A_252], %add3A_257 : memref<60x256xf32, #tpu.memory_space<vmem>>[vector<16xi32>, vector<16xi32>], vector<16xf32>,
        %add3A_258 = arith.constant 96 : i32
        %add3A_259 = vector.broadcast %add3A_258 : i32 to vector<16xi32>
        %add3A_260 = arith.addi %iota3A, %add3A_259 : vector<16xi32>
        %gather3A_261 = tpu.vector_load_idx %arg13[%broadcast_in_dim3A, %add3A_260] : memref<5x256xf32, #tpu.memory_space<vmem>>[vector<16xi32>, vector<16xi32>], vector<16xf32>,
        %gather3A_262 = tpu.vector_load_idx %arg14[%broadcast_in_dim3A_208, %add3A_260] : memref<6x256xf32, #tpu.memory_space<vmem>>[vector<16xi32>, vector<16xi32>], vector<16xf32>,
        %add3A_263 = arith.addf %gather3A_261, %gather3A_262 : vector<16xf32>
        %gather3A_264 = tpu.vector_load_idx %arg15[%broadcast_in_dim3A_209, %add3A_260] : memref<2x256xf32, #tpu.memory_space<vmem>>[vector<16xi32>, vector<16xi32>], vector<16xf32>,
        %add3A_265 = arith.addf %add3A_263, %gather3A_264 : vector<16xf32>
        tpu.vector_store_idx %arg16[%broadcast_in_dim3A_210, %add3A_260], %add3A_265 : memref<60x256xf32, #tpu.memory_space<vmem>>[vector<16xi32>, vector<16xi32>], vector<16xf32>,
        %add3A_266 = arith.constant 112 : i32
        %add3A_267 = vector.broadcast %add3A_266 : i32 to vector<16xi32>
        %add3A_268 = arith.addi %iota3A, %add3A_267 : vector<16xi32>
        %gather3A_269 = tpu.vector_load_idx %arg13[%broadcast_in_dim3A, %add3A_268] : memref<5x256xf32, #tpu.memory_space<vmem>>[vector<16xi32>, vector<16xi32>], vector<16xf32>,
        %gather3A_270 = tpu.vector_load_idx %arg14[%broadcast_in_dim3A_208, %add3A_268] : memref<6x256xf32, #tpu.memory_space<vmem>>[vector<16xi32>, vector<16xi32>], vector<16xf32>,
        %add3A_271 = arith.addf %gather3A_269, %gather3A_270 : vector<16xf32>
        %gather3A_272 = tpu.vector_load_idx %arg15[%broadcast_in_dim3A_209, %add3A_268] : memref<2x256xf32, #tpu.memory_space<vmem>>[vector<16xi32>, vector<16xi32>], vector<16xf32>,
        %add3A_273 = arith.addf %add3A_271, %gather3A_272 : vector<16xf32>
        tpu.vector_store_idx %arg16[%broadcast_in_dim3A_210, %add3A_268], %add3A_273 : memref<60x256xf32, #tpu.memory_space<vmem>>[vector<16xi32>, vector<16xi32>], vector<16xf32>,
        %add3A_274 = arith.constant 128 : i32
        %add3A_275 = vector.broadcast %add3A_274 : i32 to vector<16xi32>
        %add3A_276 = arith.addi %iota3A, %add3A_275 : vector<16xi32>
        %gather3A_277 = tpu.vector_load_idx %arg13[%broadcast_in_dim3A, %add3A_276] : memref<5x256xf32, #tpu.memory_space<vmem>>[vector<16xi32>, vector<16xi32>], vector<16xf32>,
        %gather3A_278 = tpu.vector_load_idx %arg14[%broadcast_in_dim3A_208, %add3A_276] : memref<6x256xf32, #tpu.memory_space<vmem>>[vector<16xi32>, vector<16xi32>], vector<16xf32>,
        %add3A_279 = arith.addf %gather3A_277, %gather3A_278 : vector<16xf32>
        %gather3A_280 = tpu.vector_load_idx %arg15[%broadcast_in_dim3A_209, %add3A_276] : memref<2x256xf32, #tpu.memory_space<vmem>>[vector<16xi32>, vector<16xi32>], vector<16xf32>,
        %add3A_281 = arith.addf %add3A_279, %gather3A_280 : vector<16xf32>
        tpu.vector_store_idx %arg16[%broadcast_in_dim3A_210, %add3A_276], %add3A_281 : memref<60x256xf32, #tpu.memory_space<vmem>>[vector<16xi32>, vector<16xi32>], vector<16xf32>,
        %add3A_282 = arith.constant 144 : i32
        %add3A_283 = vector.broadcast %add3A_282 : i32 to vector<16xi32>
        %add3A_284 = arith.addi %iota3A, %add3A_283 : vector<16xi32>
        %gather3A_285 = tpu.vector_load_idx %arg13[%broadcast_in_dim3A, %add3A_284] : memref<5x256xf32, #tpu.memory_space<vmem>>[vector<16xi32>, vector<16xi32>], vector<16xf32>,
        %gather3A_286 = tpu.vector_load_idx %arg14[%broadcast_in_dim3A_208, %add3A_284] : memref<6x256xf32, #tpu.memory_space<vmem>>[vector<16xi32>, vector<16xi32>], vector<16xf32>,
        %add3A_287 = arith.addf %gather3A_285, %gather3A_286 : vector<16xf32>
        %gather3A_288 = tpu.vector_load_idx %arg15[%broadcast_in_dim3A_209, %add3A_284] : memref<2x256xf32, #tpu.memory_space<vmem>>[vector<16xi32>, vector<16xi32>], vector<16xf32>,
        %add3A_289 = arith.addf %add3A_287, %gather3A_288 : vector<16xf32>
        tpu.vector_store_idx %arg16[%broadcast_in_dim3A_210, %add3A_284], %add3A_289 : memref<60x256xf32, #tpu.memory_space<vmem>>[vector<16xi32>, vector<16xi32>], vector<16xf32>,
        %add3A_290 = arith.constant 160 : i32
        %add3A_291 = vector.broadcast %add3A_290 : i32 to vector<16xi32>
        %add3A_292 = arith.addi %iota3A, %add3A_291 : vector<16xi32>
        %gather3A_293 = tpu.vector_load_idx %arg13[%broadcast_in_dim3A, %add3A_292] : memref<5x256xf32, #tpu.memory_space<vmem>>[vector<16xi32>, vector<16xi32>], vector<16xf32>,
        %gather3A_294 = tpu.vector_load_idx %arg14[%broadcast_in_dim3A_208, %add3A_292] : memref<6x256xf32, #tpu.memory_space<vmem>>[vector<16xi32>, vector<16xi32>], vector<16xf32>,
        %add3A_295 = arith.addf %gather3A_293, %gather3A_294 : vector<16xf32>
        %gather3A_296 = tpu.vector_load_idx %arg15[%broadcast_in_dim3A_209, %add3A_292] : memref<2x256xf32, #tpu.memory_space<vmem>>[vector<16xi32>, vector<16xi32>], vector<16xf32>,
        %add3A_297 = arith.addf %add3A_295, %gather3A_296 : vector<16xf32>
        tpu.vector_store_idx %arg16[%broadcast_in_dim3A_210, %add3A_292], %add3A_297 : memref<60x256xf32, #tpu.memory_space<vmem>>[vector<16xi32>, vector<16xi32>], vector<16xf32>,
        %add3A_298 = arith.constant 176 : i32
        %add3A_299 = vector.broadcast %add3A_298 : i32 to vector<16xi32>
        %add3A_300 = arith.addi %iota3A, %add3A_299 : vector<16xi32>
        %gather3A_301 = tpu.vector_load_idx %arg13[%broadcast_in_dim3A, %add3A_300] : memref<5x256xf32, #tpu.memory_space<vmem>>[vector<16xi32>, vector<16xi32>], vector<16xf32>,
        %gather3A_302 = tpu.vector_load_idx %arg14[%broadcast_in_dim3A_208, %add3A_300] : memref<6x256xf32, #tpu.memory_space<vmem>>[vector<16xi32>, vector<16xi32>], vector<16xf32>,
        %add3A_303 = arith.addf %gather3A_301, %gather3A_302 : vector<16xf32>
        %gather3A_304 = tpu.vector_load_idx %arg15[%broadcast_in_dim3A_209, %add3A_300] : memref<2x256xf32, #tpu.memory_space<vmem>>[vector<16xi32>, vector<16xi32>], vector<16xf32>,
        %add3A_305 = arith.addf %add3A_303, %gather3A_304 : vector<16xf32>
        tpu.vector_store_idx %arg16[%broadcast_in_dim3A_210, %add3A_300], %add3A_305 : memref<60x256xf32, #tpu.memory_space<vmem>>[vector<16xi32>, vector<16xi32>], vector<16xf32>,
        %add3A_306 = arith.constant 192 : i32
        %add3A_307 = vector.broadcast %add3A_306 : i32 to vector<16xi32>
        %add3A_308 = arith.addi %iota3A, %add3A_307 : vector<16xi32>
        %gather3A_309 = tpu.vector_load_idx %arg13[%broadcast_in_dim3A, %add3A_308] : memref<5x256xf32, #tpu.memory_space<vmem>>[vector<16xi32>, vector<16xi32>], vector<16xf32>,
        %gather3A_310 = tpu.vector_load_idx %arg14[%broadcast_in_dim3A_208, %add3A_308] : memref<6x256xf32, #tpu.memory_space<vmem>>[vector<16xi32>, vector<16xi32>], vector<16xf32>,
        %add3A_311 = arith.addf %gather3A_309, %gather3A_310 : vector<16xf32>
        %gather3A_312 = tpu.vector_load_idx %arg15[%broadcast_in_dim3A_209, %add3A_308] : memref<2x256xf32, #tpu.memory_space<vmem>>[vector<16xi32>, vector<16xi32>], vector<16xf32>,
        %add3A_313 = arith.addf %add3A_311, %gather3A_312 : vector<16xf32>
        tpu.vector_store_idx %arg16[%broadcast_in_dim3A_210, %add3A_308], %add3A_313 : memref<60x256xf32, #tpu.memory_space<vmem>>[vector<16xi32>, vector<16xi32>], vector<16xf32>,
        %add3A_314 = arith.constant 208 : i32
        %add3A_315 = vector.broadcast %add3A_314 : i32 to vector<16xi32>
        %add3A_316 = arith.addi %iota3A, %add3A_315 : vector<16xi32>
        %gather3A_317 = tpu.vector_load_idx %arg13[%broadcast_in_dim3A, %add3A_316] : memref<5x256xf32, #tpu.memory_space<vmem>>[vector<16xi32>, vector<16xi32>], vector<16xf32>,
        %gather3A_318 = tpu.vector_load_idx %arg14[%broadcast_in_dim3A_208, %add3A_316] : memref<6x256xf32, #tpu.memory_space<vmem>>[vector<16xi32>, vector<16xi32>], vector<16xf32>,
        %add3A_319 = arith.addf %gather3A_317, %gather3A_318 : vector<16xf32>
        %gather3A_320 = tpu.vector_load_idx %arg15[%broadcast_in_dim3A_209, %add3A_316] : memref<2x256xf32, #tpu.memory_space<vmem>>[vector<16xi32>, vector<16xi32>], vector<16xf32>,
        %add3A_321 = arith.addf %add3A_319, %gather3A_320 : vector<16xf32>
        tpu.vector_store_idx %arg16[%broadcast_in_dim3A_210, %add3A_316], %add3A_321 : memref<60x256xf32, #tpu.memory_space<vmem>>[vector<16xi32>, vector<16xi32>], vector<16xf32>,
        %add3A_322 = arith.constant 224 : i32
        %add3A_323 = vector.broadcast %add3A_322 : i32 to vector<16xi32>
        %add3A_324 = arith.addi %iota3A, %add3A_323 : vector<16xi32>
        %gather3A_325 = tpu.vector_load_idx %arg13[%broadcast_in_dim3A, %add3A_324] : memref<5x256xf32, #tpu.memory_space<vmem>>[vector<16xi32>, vector<16xi32>], vector<16xf32>,
        %gather3A_326 = tpu.vector_load_idx %arg14[%broadcast_in_dim3A_208, %add3A_324] : memref<6x256xf32, #tpu.memory_space<vmem>>[vector<16xi32>, vector<16xi32>], vector<16xf32>,
        %add3A_327 = arith.addf %gather3A_325, %gather3A_326 : vector<16xf32>
        %gather3A_328 = tpu.vector_load_idx %arg15[%broadcast_in_dim3A_209, %add3A_324] : memref<2x256xf32, #tpu.memory_space<vmem>>[vector<16xi32>, vector<16xi32>], vector<16xf32>,
        %add3A_329 = arith.addf %add3A_327, %gather3A_328 : vector<16xf32>
        tpu.vector_store_idx %arg16[%broadcast_in_dim3A_210, %add3A_324], %add3A_329 : memref<60x256xf32, #tpu.memory_space<vmem>>[vector<16xi32>, vector<16xi32>], vector<16xf32>,
        %add3A_330 = arith.constant 240 : i32
        %add3A_331 = vector.broadcast %add3A_330 : i32 to vector<16xi32>
        %add3A_332 = arith.addi %iota3A, %add3A_331 : vector<16xi32>
        %gather3A_333 = tpu.vector_load_idx %arg13[%broadcast_in_dim3A, %add3A_332] : memref<5x256xf32, #tpu.memory_space<vmem>>[vector<16xi32>, vector<16xi32>], vector<16xf32>,
        %gather3A_334 = tpu.vector_load_idx %arg14[%broadcast_in_dim3A_208, %add3A_332] : memref<6x256xf32, #tpu.memory_space<vmem>>[vector<16xi32>, vector<16xi32>], vector<16xf32>,
        %add3A_335 = arith.addf %gather3A_333, %gather3A_334 : vector<16xf32>
        %gather3A_336 = tpu.vector_load_idx %arg15[%broadcast_in_dim3A_209, %add3A_332] : memref<2x256xf32, #tpu.memory_space<vmem>>[vector<16xi32>, vector<16xi32>], vector<16xf32>,
        %add3A_337 = arith.addf %add3A_335, %gather3A_336 : vector<16xf32>
        tpu.vector_store_idx %arg16[%broadcast_in_dim3A_210, %add3A_332], %add3A_337 : memref<60x256xf32, #tpu.memory_space<vmem>>[vector<16xi32>, vector<16xi32>], vector<16xf32>,
      }
      %scan3A_151 = arith.constant 4 : i32
      "tpu.region"() ({
        %run_scoped3A = tpu.sem_alloc : memref<!tpu.dma_semaphore, #tpu.memory_space<semaphore_mem>>
        %dma_start3A_152 = arith.constant 0 : i32
        %dma_start3A_153 = tpu.memref_slice %arg16[%mul3A_145, %dma_start3A_152] : memref<60x256xf32, #tpu.memory_space<vmem>> -> memref<4x256xf32, #tpu.memory_space<vmem>>
        %dma_start3A_154 = arith.constant 0 : i32
        %dma_start3A_155 = tpu.memref_slice %arg17[%mul3A_145, %dma_start3A_154] : memref<60x256xf32, #tpu.memory_space<vmem_shared>> -> memref<4x256xf32, #tpu.memory_space<vmem_shared>>
        %dma_start3A_156 = arith.constant 0 : i32
        %dma_start3A_157 = tpu.memref_slice %arg17[%mul3A_145, %dma_start3A_156] : memref<60x256xf32, #tpu.memory_space<vmem_shared>> -> memref<4x256xf32, #tpu.memory_space<vmem_shared>>
        %dma_start3A_158 = arith.constant 0 : i32
        %dma_start3A_159 = tpu.memref_slice %arg16[%mul3A_145, %dma_start3A_158] : memref<60x256xf32, #tpu.memory_space<vmem>> -> memref<4x256xf32, #tpu.memory_space<vmem>>
        tpu.enqueue_dma source(%dma_start3A_159 : memref<4x256xf32, #tpu.memory_space<vmem>>) target(%dma_start3A_157 : memref<4x256xf32, #tpu.memory_space<vmem_shared>>) target_semaphore(%run_scoped3A : memref<!tpu.dma_semaphore, #tpu.memory_space<semaphore_mem>>)
        %dma_wait3A_160 = arith.constant 0 : i32
        %dma_wait3A_161 = tpu.memref_slice %arg16[%mul3A_145, %dma_wait3A_160] : memref<60x256xf32, #tpu.memory_space<vmem>> -> memref<4x256xf32, #tpu.memory_space<vmem>>
        %dma_wait3A_162 = arith.constant 0 : i32
        %dma_wait3A_163 = tpu.memref_slice %arg17[%mul3A_145, %dma_wait3A_162] : memref<60x256xf32, #tpu.memory_space<vmem_shared>> -> memref<4x256xf32, #tpu.memory_space<vmem_shared>>
        %dma_wait3A_164 = arith.constant 0 : i32
        %dma_wait3A_165 = tpu.memref_slice %arg17[%mul3A_145, %dma_wait3A_164] : memref<60x256xf32, #tpu.memory_space<vmem_shared>> -> memref<4x256xf32, #tpu.memory_space<vmem_shared>>
        %dma_wait3A_166 = arith.constant 0 : i32
        %dma_wait3A_167 = tpu.memref_slice %arg16[%mul3A_145, %dma_wait3A_166] : memref<60x256xf32, #tpu.memory_space<vmem>> -> memref<4x256xf32, #tpu.memory_space<vmem>>
        tpu.wait_dma2 semaphore(%run_scoped3A : memref<!tpu.dma_semaphore, #tpu.memory_space<semaphore_mem>>) src(%dma_wait3A_167 : memref<4x256xf32, #tpu.memory_space<vmem>>) dst(%dma_wait3A_165 : memref<4x256xf32, #tpu.memory_space<vmem_shared>>)
        tpu.yield
      }) : () -> ()
    } else {
    }
    %barrier3A = arith.constant 0 : index
    tpu.barrier barrier_id(%barrier3A)
    %dma_wait3A_55 = arith.constant 1 : i32
    %dma_wait3A_56 = tpu.memref_slice %arg2[%mul3A_2] : memref<163840xi32, #tpu.memory_space<hbm>> -> memref<5120xi32, #tpu.memory_space<hbm>>
    %dma_wait3A_57 = tpu.memref_slice %arg19[%dma_wait3A_55] : memref<2x!tpu.dma_semaphore, #tpu.memory_space<semaphore_mem>> -> memref<1x!tpu.dma_semaphore, #tpu.memory_space<semaphore_mem>>
    %dma_wait3A_58 = tpu.memref_squeeze %dma_wait3A_57 : memref<1x!tpu.dma_semaphore, #tpu.memory_space<semaphore_mem>> -> memref<!tpu.dma_semaphore, #tpu.memory_space<semaphore_mem>>
    %dma_wait3A_59 = tpu.memref_slice %arg2[%mul3A_2] : memref<163840xi32, #tpu.memory_space<hbm>> -> memref<5120xi32, #tpu.memory_space<hbm>>
    tpu.wait_dma2 semaphore(%dma_wait3A_58 : memref<!tpu.dma_semaphore, #tpu.memory_space<semaphore_mem>>) src(%dma_wait3A_59 : memref<5120xi32, #tpu.memory_space<hbm>>) dst(%arg9 : memref<5120xi32, #tpu.memory_space<vmem>>)
    %dma_wait3A_60 = arith.constant 1 : i32
    %dma_wait3A_61 = tpu.memref_slice %arg3[%mul3A_2] : memref<163840xi32, #tpu.memory_space<hbm>> -> memref<5120xi32, #tpu.memory_space<hbm>>
    %dma_wait3A_62 = tpu.memref_slice %arg19[%dma_wait3A_60] : memref<2x!tpu.dma_semaphore, #tpu.memory_space<semaphore_mem>> -> memref<1x!tpu.dma_semaphore, #tpu.memory_space<semaphore_mem>>
    %dma_wait3A_63 = tpu.memref_squeeze %dma_wait3A_62 : memref<1x!tpu.dma_semaphore, #tpu.memory_space<semaphore_mem>> -> memref<!tpu.dma_semaphore, #tpu.memory_space<semaphore_mem>>
    %dma_wait3A_64 = tpu.memref_slice %arg3[%mul3A_2] : memref<163840xi32, #tpu.memory_space<hbm>> -> memref<5120xi32, #tpu.memory_space<hbm>>
    tpu.wait_dma2 semaphore(%dma_wait3A_63 : memref<!tpu.dma_semaphore, #tpu.memory_space<semaphore_mem>>) src(%dma_wait3A_64 : memref<5120xi32, #tpu.memory_space<hbm>>) dst(%arg10 : memref<5120xi32, #tpu.memory_space<vmem>>)
    %dma_wait3A_65 = arith.constant 1 : i32
    %dma_wait3A_66 = tpu.memref_slice %arg4[%mul3A_2] : memref<163840xi32, #tpu.memory_space<hbm>> -> memref<5120xi32, #tpu.memory_space<hbm>>
    %dma_wait3A_67 = tpu.memref_slice %arg19[%dma_wait3A_65] : memref<2x!tpu.dma_semaphore, #tpu.memory_space<semaphore_mem>> -> memref<1x!tpu.dma_semaphore, #tpu.memory_space<semaphore_mem>>
    %dma_wait3A_68 = tpu.memref_squeeze %dma_wait3A_67 : memref<1x!tpu.dma_semaphore, #tpu.memory_space<semaphore_mem>> -> memref<!tpu.dma_semaphore, #tpu.memory_space<semaphore_mem>>
    %dma_wait3A_69 = tpu.memref_slice %arg4[%mul3A_2] : memref<163840xi32, #tpu.memory_space<hbm>> -> memref<5120xi32, #tpu.memory_space<hbm>>
    tpu.wait_dma2 semaphore(%dma_wait3A_68 : memref<!tpu.dma_semaphore, #tpu.memory_space<semaphore_mem>>) src(%dma_wait3A_69 : memref<5120xi32, #tpu.memory_space<hbm>>) dst(%arg11 : memref<5120xi32, #tpu.memory_space<vmem>>)
    %scan3A = arith.constant 0 : i32
    %scan3A_70 = arith.constant 0 : i32
    %scan3A_71 = arith.constant 8 : i32
    %scan3A_72 = arith.addi %scan3A_70, %scan3A_71 : i32
    %scan3A_73 = arith.constant 1 : i32
    scf.for %scan3A_144 = %scan3A_70 to %scan3A_72 step %scan3A_73  : i32 {
      %mul3A_145 = arith.constant 16 : i32
      %mul3A_146 = arith.muli %scan3A_144, %mul3A_145 : i32
      %add3A_147 = arith.constant 0 : i32
      %add3A_148 = arith.addi %add3A_147, %mul3A_146 : i32
      %get3A = arith.index_cast %add3A_148 : i32 to index
      %get3A_149 = tpu.vector_load %arg9[%get3A] {strides = array<i32>} : memref<5120xi32, #tpu.memory_space<vmem>>, vector<16xi32>,
      %get3A_150 = arith.index_cast %add3A_148 : i32 to index
      %get3A_151 = tpu.vector_load %arg10[%get3A_150] {strides = array<i32>} : memref<5120xi32, #tpu.memory_space<vmem>>, vector<16xi32>,
      %get3A_152 = arith.index_cast %add3A_148 : i32 to index
      %get3A_153 = tpu.vector_load %arg11[%get3A_152] {strides = array<i32>} : memref<5120xi32, #tpu.memory_space<vmem>>, vector<16xi32>,
      %mul3A_154 = arith.constant 12 : i32
      %mul3A_155 = vector.broadcast %mul3A_154 : i32 to vector<16xi32>
      %mul3A_156 = arith.muli %get3A_149, %mul3A_155 : vector<16xi32>
      %mul3A_157 = arith.constant 2 : i32
      %mul3A_158 = vector.broadcast %mul3A_157 : i32 to vector<16xi32>
      %mul3A_159 = arith.muli %get3A_151, %mul3A_158 : vector<16xi32>
      %add3A_160 = arith.addi %mul3A_156, %mul3A_159 : vector<16xi32>
      %add3A_161 = arith.addi %add3A_160, %get3A_153 : vector<16xi32>
      %mul3A_162 = arith.constant 16 : i32
      %mul3A_163 = arith.muli %scan3A_144, %mul3A_162 : i32
      %swap3A = arith.constant 0 : i32
      %swap3A_164 = arith.index_cast %swap3A : i32 to index
      %swap3A_165 = arith.index_cast %mul3A_163 : i32 to index
      %swap3A_166 = tpu.vector_load %arg12[%swap3A_164, %swap3A_165] {strides = array<i32>} : memref<2x128xi32, #tpu.memory_space<vmem>>, vector<16xi32>,
      tpu.vector_store %arg12[%swap3A_164, %swap3A_165], %add3A_161 {strides = array<i32>} : memref<2x128xi32, #tpu.memory_space<vmem>>, vector<16xi32>,
    }
    %scan3A_74 = arith.constant 8 : i32
    %dma_start3A_75 = arith.constant 0 : i32
    %dma_start3A_76 = arith.constant 0 : i32
    %dma_start3A_77 = arith.constant 0 : i32
    %dma_start3A_78 = arith.constant 0 : i32
    %dma_start3A_79 = arith.constant 0 : i32
    %dma_start3A_80 = tpu.memref_slice %arg18[%dma_start3A_76, %dma_start3A_78, %dma_start3A_79] : memref<2x128x256xf32, #tpu.memory_space<vmem>> -> memref<1x128x256xf32, #tpu.memory_space<vmem>>
    %dma_start3A_81 = tpu.memref_squeeze %dma_start3A_80 : memref<1x128x256xf32, #tpu.memory_space<vmem>> -> memref<128x256xf32, #tpu.memory_space<vmem>>
    %dma_start3A_82 = arith.constant 0 : i32
    %dma_start3A_83 = tpu.memref_slice %arg12[%dma_start3A_75, %dma_start3A_82] : memref<2x128xi32, #tpu.memory_space<vmem>> -> memref<1x128xi32, #tpu.memory_space<vmem>>
    %dma_start3A_84 = tpu.memref_squeeze %dma_start3A_83 : memref<1x128xi32, #tpu.memory_space<vmem>> -> memref<128xi32, #tpu.memory_space<vmem>>
    %dma_start3A_85 = arith.constant 0 : i32
    %dma_start3A_86 = arith.constant 0 : i32
    %dma_start3A_87 = tpu.memref_slice %arg17[%dma_start3A_85, %dma_start3A_86] : memref<60x256xf32, #tpu.memory_space<vmem_shared>> -> memref<60x256xf32, #tpu.memory_space<vmem_shared>>
    %dma_start3A_88 = tpu.memref_slice %arg19[%dma_start3A_77] : memref<2x!tpu.dma_semaphore, #tpu.memory_space<semaphore_mem>> -> memref<1x!tpu.dma_semaphore, #tpu.memory_space<semaphore_mem>>
    %dma_start3A_89 = tpu.memref_squeeze %dma_start3A_88 : memref<1x!tpu.dma_semaphore, #tpu.memory_space<semaphore_mem>> -> memref<!tpu.dma_semaphore, #tpu.memory_space<semaphore_mem>>
    tpu.enqueue_indirect_dma source(%dma_start3A_87 : memref<60x256xf32, #tpu.memory_space<vmem_shared>>) target(%dma_start3A_81 : memref<128x256xf32, #tpu.memory_space<vmem>>) offsets(%dma_start3A_84 : memref<128xi32, #tpu.memory_space<vmem>>) semaphore(%dma_start3A_89 : memref<!tpu.dma_semaphore, #tpu.memory_space<semaphore_mem>>)
    %jit3A_90 = arith.constant 2 : i32
    %div3A_91 = arith.divsi %select_n3A, %jit3A_90 : i32
    %sign3A_92 = arith.constant 0 : i32
    %sign3A_93 = arith.cmpi sgt, %select_n3A, %sign3A_92 : i32
    %sign3A_94 = arith.extui %sign3A_93 : i1 to i32
    %sign3A_95 = arith.constant 0 : i32
    %sign3A_96 = arith.cmpi slt, %select_n3A, %sign3A_95 : i32
    %sign3A_97 = arith.extui %sign3A_96 : i1 to i32
    %sign3A_98 = arith.subi %sign3A_94, %sign3A_97 : i32
    %sign3A_99 = arith.constant 0 : i32
    %sign3A_100 = arith.cmpi sgt, %jit3A_90, %sign3A_99 : i32
    %sign3A_101 = arith.extui %sign3A_100 : i1 to i32
    %sign3A_102 = arith.constant 0 : i32
    %sign3A_103 = arith.cmpi slt, %jit3A_90, %sign3A_102 : i32
    %sign3A_104 = arith.extui %sign3A_103 : i1 to i32
    %sign3A_105 = arith.subi %sign3A_101, %sign3A_104 : i32
    %ne3A_106 = arith.cmpi ne, %sign3A_98, %sign3A_105 : i32
    %rem3A_107 = arith.remsi %select_n3A, %jit3A_90 : i32
    %ne3A_108 = arith.constant 0 : i32
    %ne3A_109 = arith.cmpi ne, %rem3A_107, %ne3A_108 : i32
    %and3A_110 = arith.andi %ne3A_106, %ne3A_109 : i1
    %sub3A_111 = arith.constant 1 : i32
    %sub3A_112 = arith.subi %div3A_91, %sub3A_111 : i32
    %select_n3A_113 = arith.select %and3A_110, %sub3A_112, %div3A_91 : i32
    %while3A = arith.constant 0 : i32
    %while3A_114 = arith.constant 0 : i32
    %while3A_115 = arith.subi %select_n3A_113, %while3A_114 : i32
    %while3A_116 = arith.addi %while3A_114, %while3A_115 : i32
    %while3A_117 = arith.constant 1 : i32
    %while3A_118 = arith.divsi %while3A_115, %while3A_117 : i32
    %while3A_119 = arith.muli %while3A_118, %while3A_117 : i32
    %while3A_120 = arith.addi %while3A_114, %while3A_119 : i32
    %while3A_121 = arith.constant 1 : i32
    scf.for %while3A_144 = %while3A_114 to %while3A_120 step %while3A_121  : i32 {
      %mul3A_145 = arith.constant 2 : i32
      %mul3A_146 = arith.muli %while3A_144, %mul3A_145 : i32
      %add3A_147 = arith.constant 0 : i32
      %add3A_148 = arith.addi %mul3A_146, %add3A_147 : i32
      %ge3A = arith.constant 1 : i32
      %ge3A_149 = arith.cmpi sge, %add3A_148, %ge3A : i32
      %convert_element_type3A_150 = arith.extui %ge3A_149 : i1 to i32
      %cond3A_151 = arith.constant 0 : i32
      %cond3A_152 = arith.cmpi ne, %convert_element_type3A_150, %cond3A_151 : i32
      scf.if %cond3A_152 {
        %sub3A_242 = arith.constant 1 : i32
        %sub3A_243 = arith.subi %add3A_148, %sub3A_242 : i32
        %mul3A_244 = arith.constant 128 : i32
        %mul3A_245 = arith.muli %sub3A_243, %mul3A_244 : i32
        %add3A_246 = arith.addi %mul3A_2, %mul3A_245 : i32
        %dma_wait3A_247 = arith.constant 1 : i32
        %dma_wait3A_248 = arith.constant 1 : i32
        %dma_wait3A_249 = arith.constant 0 : i32
        %dma_wait3A_250 = arith.constant 0 : i32
        %dma_wait3A_251 = tpu.memref_slice %arg18[%dma_wait3A_247, %dma_wait3A_249, %dma_wait3A_250] : memref<2x128x256xf32, #tpu.memory_space<vmem>> -> memref<1x128x256xf32, #tpu.memory_space<vmem>>
        %dma_wait3A_252 = tpu.memref_squeeze %dma_wait3A_251 : memref<1x128x256xf32, #tpu.memory_space<vmem>> -> memref<128x256xf32, #tpu.memory_space<vmem>>
        %dma_wait3A_253 = arith.constant 0 : i32
        %dma_wait3A_254 = tpu.memref_slice %arg8[%add3A_246, %dma_wait3A_253] : memref<160000x256xf32, #tpu.memory_space<hbm>> -> memref<128x256xf32, #tpu.memory_space<hbm>>
        %dma_wait3A_255 = tpu.memref_slice %arg20[%dma_wait3A_248] : memref<2x!tpu.dma_semaphore, #tpu.memory_space<semaphore_mem>> -> memref<1x!tpu.dma_semaphore, #tpu.memory_space<semaphore_mem>>
        %dma_wait3A_256 = tpu.memref_squeeze %dma_wait3A_255 : memref<1x!tpu.dma_semaphore, #tpu.memory_space<semaphore_mem>> -> memref<!tpu.dma_semaphore, #tpu.memory_space<semaphore_mem>>
        %dma_wait3A_257 = arith.constant 0 : i32
        %dma_wait3A_258 = tpu.memref_slice %arg8[%add3A_246, %dma_wait3A_257] : memref<160000x256xf32, #tpu.memory_space<hbm>> -> memref<128x256xf32, #tpu.memory_space<hbm>>
        %dma_wait3A_259 = arith.constant 0 : i32
        %dma_wait3A_260 = arith.constant 0 : i32
        %dma_wait3A_261 = tpu.memref_slice %arg18[%dma_wait3A_247, %dma_wait3A_259, %dma_wait3A_260] : memref<2x128x256xf32, #tpu.memory_space<vmem>> -> memref<1x128x256xf32, #tpu.memory_space<vmem>>
        %dma_wait3A_262 = tpu.memref_squeeze %dma_wait3A_261 : memref<1x128x256xf32, #tpu.memory_space<vmem>> -> memref<128x256xf32, #tpu.memory_space<vmem>>
        tpu.wait_dma2 semaphore(%dma_wait3A_256 : memref<!tpu.dma_semaphore, #tpu.memory_space<semaphore_mem>>) src(%dma_wait3A_262 : memref<128x256xf32, #tpu.memory_space<vmem>>) dst(%dma_wait3A_258 : memref<128x256xf32, #tpu.memory_space<hbm>>)
      } else {
      }
      %sub3A_153 = arith.constant 1 : i32
      %sub3A_154 = arith.subi %select_n3A, %sub3A_153 : i32
      %lt3A_155 = arith.cmpi slt, %add3A_148, %sub3A_154 : i32
      %convert_element_type3A_156 = arith.extui %lt3A_155 : i1 to i32
      %cond3A_157 = arith.constant 0 : i32
      %cond3A_158 = arith.cmpi ne, %convert_element_type3A_156, %cond3A_157 : i32
      scf.if %cond3A_158 {
        %add3A_242 = arith.constant 1 : i32
        %add3A_243 = arith.addi %add3A_148, %add3A_242 : i32
        %mul3A_244 = arith.constant 128 : i32
        %mul3A_245 = arith.muli %add3A_243, %mul3A_244 : i32
        %scan3A_246 = arith.constant 0 : i32
        %scan3A_247 = arith.constant 0 : i32
        %scan3A_248 = arith.constant 8 : i32
        %scan3A_249 = arith.addi %scan3A_247, %scan3A_248 : i32
        %scan3A_250 = arith.constant 1 : i32
        scf.for %scan3A_269 = %scan3A_247 to %scan3A_249 step %scan3A_250  : i32 {
          %mul3A_270 = arith.constant 16 : i32
          %mul3A_271 = arith.muli %scan3A_269, %mul3A_270 : i32
          %add3A_272 = arith.addi %mul3A_245, %mul3A_271 : i32
          %get3A = arith.index_cast %add3A_272 : i32 to index
          %get3A_273 = tpu.vector_load %arg9[%get3A] {strides = array<i32>} : memref<5120xi32, #tpu.memory_space<vmem>>, vector<16xi32>,
          %get3A_274 = arith.index_cast %add3A_272 : i32 to index
          %get3A_275 = tpu.vector_load %arg10[%get3A_274] {strides = array<i32>} : memref<5120xi32, #tpu.memory_space<vmem>>, vector<16xi32>,
          %get3A_276 = arith.index_cast %add3A_272 : i32 to index
          %get3A_277 = tpu.vector_load %arg11[%get3A_276] {strides = array<i32>} : memref<5120xi32, #tpu.memory_space<vmem>>, vector<16xi32>,
          %mul3A_278 = arith.constant 12 : i32
          %mul3A_279 = vector.broadcast %mul3A_278 : i32 to vector<16xi32>
          %mul3A_280 = arith.muli %get3A_273, %mul3A_279 : vector<16xi32>
          %mul3A_281 = arith.constant 2 : i32
          %mul3A_282 = vector.broadcast %mul3A_281 : i32 to vector<16xi32>
          %mul3A_283 = arith.muli %get3A_275, %mul3A_282 : vector<16xi32>
          %add3A_284 = arith.addi %mul3A_280, %mul3A_283 : vector<16xi32>
          %add3A_285 = arith.addi %add3A_284, %get3A_277 : vector<16xi32>
          %mul3A_286 = arith.constant 16 : i32
          %mul3A_287 = arith.muli %scan3A_269, %mul3A_286 : i32
          %swap3A = arith.constant 1 : i32
          %swap3A_288 = arith.index_cast %swap3A : i32 to index
          %swap3A_289 = arith.index_cast %mul3A_287 : i32 to index
          %swap3A_290 = tpu.vector_load %arg12[%swap3A_288, %swap3A_289] {strides = array<i32>} : memref<2x128xi32, #tpu.memory_space<vmem>>, vector<16xi32>,
          tpu.vector_store %arg12[%swap3A_288, %swap3A_289], %add3A_285 {strides = array<i32>} : memref<2x128xi32, #tpu.memory_space<vmem>>, vector<16xi32>,
        }
        %scan3A_251 = arith.constant 8 : i32
        %add3A_252 = arith.constant 1 : i32
        %add3A_253 = arith.addi %add3A_148, %add3A_252 : i32
        %dma_start3A_254 = arith.constant 1 : i32
        %dma_start3A_255 = arith.constant 1 : i32
        %dma_start3A_256 = arith.constant 1 : i32
        %dma_start3A_257 = arith.constant 0 : i32
        %dma_start3A_258 = arith.constant 0 : i32
        %dma_start3A_259 = tpu.memref_slice %arg18[%dma_start3A_255, %dma_start3A_257, %dma_start3A_258] : memref<2x128x256xf32, #tpu.memory_space<vmem>> -> memref<1x128x256xf32, #tpu.memory_space<vmem>>
        %dma_start3A_260 = tpu.memref_squeeze %dma_start3A_259 : memref<1x128x256xf32, #tpu.memory_space<vmem>> -> memref<128x256xf32, #tpu.memory_space<vmem>>
        %dma_start3A_261 = arith.constant 0 : i32
        %dma_start3A_262 = tpu.memref_slice %arg12[%dma_start3A_254, %dma_start3A_261] : memref<2x128xi32, #tpu.memory_space<vmem>> -> memref<1x128xi32, #tpu.memory_space<vmem>>
        %dma_start3A_263 = tpu.memref_squeeze %dma_start3A_262 : memref<1x128xi32, #tpu.memory_space<vmem>> -> memref<128xi32, #tpu.memory_space<vmem>>
        %dma_start3A_264 = arith.constant 0 : i32
        %dma_start3A_265 = arith.constant 0 : i32
        %dma_start3A_266 = tpu.memref_slice %arg17[%dma_start3A_264, %dma_start3A_265] : memref<60x256xf32, #tpu.memory_space<vmem_shared>> -> memref<60x256xf32, #tpu.memory_space<vmem_shared>>
        %dma_start3A_267 = tpu.memref_slice %arg19[%dma_start3A_256] : memref<2x!tpu.dma_semaphore, #tpu.memory_space<semaphore_mem>> -> memref<1x!tpu.dma_semaphore, #tpu.memory_space<semaphore_mem>>
        %dma_start3A_268 = tpu.memref_squeeze %dma_start3A_267 : memref<1x!tpu.dma_semaphore, #tpu.memory_space<semaphore_mem>> -> memref<!tpu.dma_semaphore, #tpu.memory_space<semaphore_mem>>
        tpu.enqueue_indirect_dma source(%dma_start3A_266 : memref<60x256xf32, #tpu.memory_space<vmem_shared>>) target(%dma_start3A_260 : memref<128x256xf32, #tpu.memory_space<vmem>>) offsets(%dma_start3A_263 : memref<128xi32, #tpu.memory_space<vmem>>) semaphore(%dma_start3A_268 : memref<!tpu.dma_semaphore, #tpu.memory_space<semaphore_mem>>)
      } else {
      }
      %dma_wait3A_159 = arith.constant 0 : i32
      %dma_wait3A_160 = arith.constant 0 : i32
      %dma_wait3A_161 = arith.constant 0 : i32
      %dma_wait3A_162 = arith.constant 0 : i32
      %dma_wait3A_163 = arith.constant 0 : i32
      %dma_wait3A_164 = tpu.memref_slice %arg18[%dma_wait3A_160, %dma_wait3A_162, %dma_wait3A_163] : memref<2x128x256xf32, #tpu.memory_space<vmem>> -> memref<1x128x256xf32, #tpu.memory_space<vmem>>
      %dma_wait3A_165 = tpu.memref_squeeze %dma_wait3A_164 : memref<1x128x256xf32, #tpu.memory_space<vmem>> -> memref<128x256xf32, #tpu.memory_space<vmem>>
      %dma_wait3A_166 = arith.constant 0 : i32
      %dma_wait3A_167 = tpu.memref_slice %arg12[%dma_wait3A_159, %dma_wait3A_166] : memref<2x128xi32, #tpu.memory_space<vmem>> -> memref<1x128xi32, #tpu.memory_space<vmem>>
      %dma_wait3A_168 = tpu.memref_squeeze %dma_wait3A_167 : memref<1x128xi32, #tpu.memory_space<vmem>> -> memref<128xi32, #tpu.memory_space<vmem>>
      %dma_wait3A_169 = arith.constant 0 : i32
      %dma_wait3A_170 = arith.constant 0 : i32
      %dma_wait3A_171 = tpu.memref_slice %arg17[%dma_wait3A_169, %dma_wait3A_170] : memref<60x256xf32, #tpu.memory_space<vmem_shared>> -> memref<60x256xf32, #tpu.memory_space<vmem_shared>>
      %dma_wait3A_172 = tpu.memref_slice %arg19[%dma_wait3A_161] : memref<2x!tpu.dma_semaphore, #tpu.memory_space<semaphore_mem>> -> memref<1x!tpu.dma_semaphore, #tpu.memory_space<semaphore_mem>>
      %dma_wait3A_173 = tpu.memref_squeeze %dma_wait3A_172 : memref<1x!tpu.dma_semaphore, #tpu.memory_space<semaphore_mem>> -> memref<!tpu.dma_semaphore, #tpu.memory_space<semaphore_mem>>
      tpu.wait_indirect_dma semaphore(%dma_wait3A_173 : memref<!tpu.dma_semaphore, #tpu.memory_space<semaphore_mem>>) src(%dma_wait3A_171 : memref<60x256xf32, #tpu.memory_space<vmem_shared>>) dst(%dma_wait3A_165 : memref<128x256xf32, #tpu.memory_space<vmem>>)
      %mul3A_174 = arith.constant 128 : i32
      %mul3A_175 = arith.muli %add3A_148, %mul3A_174 : i32
      %add3A_176 = arith.addi %mul3A_2, %mul3A_175 : i32
      %dma_start3A_177 = arith.constant 0 : i32
      %dma_start3A_178 = arith.constant 0 : i32
      %dma_start3A_179 = arith.constant 0 : i32
      %dma_start3A_180 = arith.constant 0 : i32
      %dma_start3A_181 = tpu.memref_slice %arg18[%dma_start3A_177, %dma_start3A_179, %dma_start3A_180] : memref<2x128x256xf32, #tpu.memory_space<vmem>> -> memref<1x128x256xf32, #tpu.memory_space<vmem>>
      %dma_start3A_182 = tpu.memref_squeeze %dma_start3A_181 : memref<1x128x256xf32, #tpu.memory_space<vmem>> -> memref<128x256xf32, #tpu.memory_space<vmem>>
      %dma_start3A_183 = arith.constant 0 : i32
      %dma_start3A_184 = tpu.memref_slice %arg8[%add3A_176, %dma_start3A_183] : memref<160000x256xf32, #tpu.memory_space<hbm>> -> memref<128x256xf32, #tpu.memory_space<hbm>>
      %dma_start3A_185 = tpu.memref_slice %arg20[%dma_start3A_178] : memref<2x!tpu.dma_semaphore, #tpu.memory_space<semaphore_mem>> -> memref<1x!tpu.dma_semaphore, #tpu.memory_space<semaphore_mem>>
      %dma_start3A_186 = tpu.memref_squeeze %dma_start3A_185 : memref<1x!tpu.dma_semaphore, #tpu.memory_space<semaphore_mem>> -> memref<!tpu.dma_semaphore, #tpu.memory_space<semaphore_mem>>
      %dma_start3A_187 = arith.constant 0 : i32
      %dma_start3A_188 = tpu.memref_slice %arg8[%add3A_176, %dma_start3A_187] : memref<160000x256xf32, #tpu.memory_space<hbm>> -> memref<128x256xf32, #tpu.memory_space<hbm>>
      %dma_start3A_189 = arith.constant 0 : i32
      %dma_start3A_190 = arith.constant 0 : i32
      %dma_start3A_191 = tpu.memref_slice %arg18[%dma_start3A_177, %dma_start3A_189, %dma_start3A_190] : memref<2x128x256xf32, #tpu.memory_space<vmem>> -> memref<1x128x256xf32, #tpu.memory_space<vmem>>
      %dma_start3A_192 = tpu.memref_squeeze %dma_start3A_191 : memref<1x128x256xf32, #tpu.memory_space<vmem>> -> memref<128x256xf32, #tpu.memory_space<vmem>>
      tpu.enqueue_dma source(%dma_start3A_192 : memref<128x256xf32, #tpu.memory_space<vmem>>) target(%dma_start3A_188 : memref<128x256xf32, #tpu.memory_space<hbm>>) target_semaphore(%dma_start3A_186 : memref<!tpu.dma_semaphore, #tpu.memory_space<semaphore_mem>>)
      %mul3A_193 = arith.constant 2 : i32
      %mul3A_194 = arith.muli %while3A_144, %mul3A_193 : i32
      %add3A_195 = arith.constant 1 : i32
      %add3A_196 = arith.addi %mul3A_194, %add3A_195 : i32
      %ge3A_197 = arith.constant 1 : i32
      %ge3A_198 = arith.cmpi sge, %add3A_196, %ge3A_197 : i32
      %convert_element_type3A_199 = arith.extui %ge3A_198 : i1 to i32
      %cond3A_200 = arith.constant 0 : i32
      %cond3A_201 = arith.cmpi ne, %convert_element_type3A_199, %cond3A_200 : i32
      scf.if %cond3A_201 {
        %sub3A_242 = arith.constant 1 : i32
        %sub3A_243 = arith.subi %add3A_196, %sub3A_242 : i32
        %mul3A_244 = arith.constant 128 : i32
        %mul3A_245 = arith.muli %sub3A_243, %mul3A_244 : i32
        %add3A_246 = arith.addi %mul3A_2, %mul3A_245 : i32
        %dma_wait3A_247 = arith.constant 0 : i32
        %dma_wait3A_248 = arith.constant 0 : i32
        %dma_wait3A_249 = arith.constant 0 : i32
        %dma_wait3A_250 = arith.constant 0 : i32
        %dma_wait3A_251 = tpu.memref_slice %arg18[%dma_wait3A_247, %dma_wait3A_249, %dma_wait3A_250] : memref<2x128x256xf32, #tpu.memory_space<vmem>> -> memref<1x128x256xf32, #tpu.memory_space<vmem>>
        %dma_wait3A_252 = tpu.memref_squeeze %dma_wait3A_251 : memref<1x128x256xf32, #tpu.memory_space<vmem>> -> memref<128x256xf32, #tpu.memory_space<vmem>>
        %dma_wait3A_253 = arith.constant 0 : i32
        %dma_wait3A_254 = tpu.memref_slice %arg8[%add3A_246, %dma_wait3A_253] : memref<160000x256xf32, #tpu.memory_space<hbm>> -> memref<128x256xf32, #tpu.memory_space<hbm>>
        %dma_wait3A_255 = tpu.memref_slice %arg20[%dma_wait3A_248] : memref<2x!tpu.dma_semaphore, #tpu.memory_space<semaphore_mem>> -> memref<1x!tpu.dma_semaphore, #tpu.memory_space<semaphore_mem>>
        %dma_wait3A_256 = tpu.memref_squeeze %dma_wait3A_255 : memref<1x!tpu.dma_semaphore, #tpu.memory_space<semaphore_mem>> -> memref<!tpu.dma_semaphore, #tpu.memory_space<semaphore_mem>>
        %dma_wait3A_257 = arith.constant 0 : i32
        %dma_wait3A_258 = tpu.memref_slice %arg8[%add3A_246, %dma_wait3A_257] : memref<160000x256xf32, #tpu.memory_space<hbm>> -> memref<128x256xf32, #tpu.memory_space<hbm>>
        %dma_wait3A_259 = arith.constant 0 : i32
        %dma_wait3A_260 = arith.constant 0 : i32
        %dma_wait3A_261 = tpu.memref_slice %arg18[%dma_wait3A_247, %dma_wait3A_259, %dma_wait3A_260] : memref<2x128x256xf32, #tpu.memory_space<vmem>> -> memref<1x128x256xf32, #tpu.memory_space<vmem>>
        %dma_wait3A_262 = tpu.memref_squeeze %dma_wait3A_261 : memref<1x128x256xf32, #tpu.memory_space<vmem>> -> memref<128x256xf32, #tpu.memory_space<vmem>>
        tpu.wait_dma2 semaphore(%dma_wait3A_256 : memref<!tpu.dma_semaphore, #tpu.memory_space<semaphore_mem>>) src(%dma_wait3A_262 : memref<128x256xf32, #tpu.memory_space<vmem>>) dst(%dma_wait3A_258 : memref<128x256xf32, #tpu.memory_space<hbm>>)
      } else {
      }
      %sub3A_202 = arith.constant 1 : i32
      %sub3A_203 = arith.subi %select_n3A, %sub3A_202 : i32
      %lt3A_204 = arith.cmpi slt, %add3A_196, %sub3A_203 : i32
      %convert_element_type3A_205 = arith.extui %lt3A_204 : i1 to i32
      %cond3A_206 = arith.constant 0 : i32
      %cond3A_207 = arith.cmpi ne, %convert_element_type3A_205, %cond3A_206 : i32
      scf.if %cond3A_207 {
        %add3A_242 = arith.constant 1 : i32
        %add3A_243 = arith.addi %add3A_196, %add3A_242 : i32
        %mul3A_244 = arith.constant 128 : i32
        %mul3A_245 = arith.muli %add3A_243, %mul3A_244 : i32
        %scan3A_246 = arith.constant 0 : i32
        %scan3A_247 = arith.constant 0 : i32
        %scan3A_248 = arith.constant 8 : i32
        %scan3A_249 = arith.addi %scan3A_247, %scan3A_248 : i32
        %scan3A_250 = arith.constant 1 : i32
        scf.for %scan3A_269 = %scan3A_247 to %scan3A_249 step %scan3A_250  : i32 {
          %mul3A_270 = arith.constant 16 : i32
          %mul3A_271 = arith.muli %scan3A_269, %mul3A_270 : i32
          %add3A_272 = arith.addi %mul3A_245, %mul3A_271 : i32
          %get3A = arith.index_cast %add3A_272 : i32 to index
          %get3A_273 = tpu.vector_load %arg9[%get3A] {strides = array<i32>} : memref<5120xi32, #tpu.memory_space<vmem>>, vector<16xi32>,
          %get3A_274 = arith.index_cast %add3A_272 : i32 to index
          %get3A_275 = tpu.vector_load %arg10[%get3A_274] {strides = array<i32>} : memref<5120xi32, #tpu.memory_space<vmem>>, vector<16xi32>,
          %get3A_276 = arith.index_cast %add3A_272 : i32 to index
          %get3A_277 = tpu.vector_load %arg11[%get3A_276] {strides = array<i32>} : memref<5120xi32, #tpu.memory_space<vmem>>, vector<16xi32>,
          %mul3A_278 = arith.constant 12 : i32
          %mul3A_279 = vector.broadcast %mul3A_278 : i32 to vector<16xi32>
          %mul3A_280 = arith.muli %get3A_273, %mul3A_279 : vector<16xi32>
          %mul3A_281 = arith.constant 2 : i32
          %mul3A_282 = vector.broadcast %mul3A_281 : i32 to vector<16xi32>
          %mul3A_283 = arith.muli %get3A_275, %mul3A_282 : vector<16xi32>
          %add3A_284 = arith.addi %mul3A_280, %mul3A_283 : vector<16xi32>
          %add3A_285 = arith.addi %add3A_284, %get3A_277 : vector<16xi32>
          %mul3A_286 = arith.constant 16 : i32
          %mul3A_287 = arith.muli %scan3A_269, %mul3A_286 : i32
          %swap3A = arith.constant 0 : i32
          %swap3A_288 = arith.index_cast %swap3A : i32 to index
          %swap3A_289 = arith.index_cast %mul3A_287 : i32 to index
          %swap3A_290 = tpu.vector_load %arg12[%swap3A_288, %swap3A_289] {strides = array<i32>} : memref<2x128xi32, #tpu.memory_space<vmem>>, vector<16xi32>,
          tpu.vector_store %arg12[%swap3A_288, %swap3A_289], %add3A_285 {strides = array<i32>} : memref<2x128xi32, #tpu.memory_space<vmem>>, vector<16xi32>,
        }
        %scan3A_251 = arith.constant 8 : i32
        %add3A_252 = arith.constant 1 : i32
        %add3A_253 = arith.addi %add3A_196, %add3A_252 : i32
        %dma_start3A_254 = arith.constant 0 : i32
        %dma_start3A_255 = arith.constant 0 : i32
        %dma_start3A_256 = arith.constant 0 : i32
        %dma_start3A_257 = arith.constant 0 : i32
        %dma_start3A_258 = arith.constant 0 : i32
        %dma_start3A_259 = tpu.memref_slice %arg18[%dma_start3A_255, %dma_start3A_257, %dma_start3A_258] : memref<2x128x256xf32, #tpu.memory_space<vmem>> -> memref<1x128x256xf32, #tpu.memory_space<vmem>>
        %dma_start3A_260 = tpu.memref_squeeze %dma_start3A_259 : memref<1x128x256xf32, #tpu.memory_space<vmem>> -> memref<128x256xf32, #tpu.memory_space<vmem>>
        %dma_start3A_261 = arith.constant 0 : i32
        %dma_start3A_262 = tpu.memref_slice %arg12[%dma_start3A_254, %dma_start3A_261] : memref<2x128xi32, #tpu.memory_space<vmem>> -> memref<1x128xi32, #tpu.memory_space<vmem>>
        %dma_start3A_263 = tpu.memref_squeeze %dma_start3A_262 : memref<1x128xi32, #tpu.memory_space<vmem>> -> memref<128xi32, #tpu.memory_space<vmem>>
        %dma_start3A_264 = arith.constant 0 : i32
        %dma_start3A_265 = arith.constant 0 : i32
        %dma_start3A_266 = tpu.memref_slice %arg17[%dma_start3A_264, %dma_start3A_265] : memref<60x256xf32, #tpu.memory_space<vmem_shared>> -> memref<60x256xf32, #tpu.memory_space<vmem_shared>>
        %dma_start3A_267 = tpu.memref_slice %arg19[%dma_start3A_256] : memref<2x!tpu.dma_semaphore, #tpu.memory_space<semaphore_mem>> -> memref<1x!tpu.dma_semaphore, #tpu.memory_space<semaphore_mem>>
        %dma_start3A_268 = tpu.memref_squeeze %dma_start3A_267 : memref<1x!tpu.dma_semaphore, #tpu.memory_space<semaphore_mem>> -> memref<!tpu.dma_semaphore, #tpu.memory_space<semaphore_mem>>
        tpu.enqueue_indirect_dma source(%dma_start3A_266 : memref<60x256xf32, #tpu.memory_space<vmem_shared>>) target(%dma_start3A_260 : memref<128x256xf32, #tpu.memory_space<vmem>>) offsets(%dma_start3A_263 : memref<128xi32, #tpu.memory_space<vmem>>) semaphore(%dma_start3A_268 : memref<!tpu.dma_semaphore, #tpu.memory_space<semaphore_mem>>)
      } else {
      }
      %dma_wait3A_208 = arith.constant 1 : i32
      %dma_wait3A_209 = arith.constant 1 : i32
      %dma_wait3A_210 = arith.constant 1 : i32
      %dma_wait3A_211 = arith.constant 0 : i32
      %dma_wait3A_212 = arith.constant 0 : i32
      %dma_wait3A_213 = tpu.memref_slice %arg18[%dma_wait3A_209, %dma_wait3A_211, %dma_wait3A_212] : memref<2x128x256xf32, #tpu.memory_space<vmem>> -> memref<1x128x256xf32, #tpu.memory_space<vmem>>
      %dma_wait3A_214 = tpu.memref_squeeze %dma_wait3A_213 : memref<1x128x256xf32, #tpu.memory_space<vmem>> -> memref<128x256xf32, #tpu.memory_space<vmem>>
      %dma_wait3A_215 = arith.constant 0 : i32
      %dma_wait3A_216 = tpu.memref_slice %arg12[%dma_wait3A_208, %dma_wait3A_215] : memref<2x128xi32, #tpu.memory_space<vmem>> -> memref<1x128xi32, #tpu.memory_space<vmem>>
      %dma_wait3A_217 = tpu.memref_squeeze %dma_wait3A_216 : memref<1x128xi32, #tpu.memory_space<vmem>> -> memref<128xi32, #tpu.memory_space<vmem>>
      %dma_wait3A_218 = arith.constant 0 : i32
      %dma_wait3A_219 = arith.constant 0 : i32
      %dma_wait3A_220 = tpu.memref_slice %arg17[%dma_wait3A_218, %dma_wait3A_219] : memref<60x256xf32, #tpu.memory_space<vmem_shared>> -> memref<60x256xf32, #tpu.memory_space<vmem_shared>>
      %dma_wait3A_221 = tpu.memref_slice %arg19[%dma_wait3A_210] : memref<2x!tpu.dma_semaphore, #tpu.memory_space<semaphore_mem>> -> memref<1x!tpu.dma_semaphore, #tpu.memory_space<semaphore_mem>>
      %dma_wait3A_222 = tpu.memref_squeeze %dma_wait3A_221 : memref<1x!tpu.dma_semaphore, #tpu.memory_space<semaphore_mem>> -> memref<!tpu.dma_semaphore, #tpu.memory_space<semaphore_mem>>
      tpu.wait_indirect_dma semaphore(%dma_wait3A_222 : memref<!tpu.dma_semaphore, #tpu.memory_space<semaphore_mem>>) src(%dma_wait3A_220 : memref<60x256xf32, #tpu.memory_space<vmem_shared>>) dst(%dma_wait3A_214 : memref<128x256xf32, #tpu.memory_space<vmem>>)
      %mul3A_223 = arith.constant 128 : i32
      %mul3A_224 = arith.muli %add3A_196, %mul3A_223 : i32
      %add3A_225 = arith.addi %mul3A_2, %mul3A_224 : i32
      %dma_start3A_226 = arith.constant 1 : i32
      %dma_start3A_227 = arith.constant 1 : i32
      %dma_start3A_228 = arith.constant 0 : i32
      %dma_start3A_229 = arith.constant 0 : i32
      %dma_start3A_230 = tpu.memref_slice %arg18[%dma_start3A_226, %dma_start3A_228, %dma_start3A_229] : memref<2x128x256xf32, #tpu.memory_space<vmem>> -> memref<1x128x256xf32, #tpu.memory_space<vmem>>
      %dma_start3A_231 = tpu.memref_squeeze %dma_start3A_230 : memref<1x128x256xf32, #tpu.memory_space<vmem>> -> memref<128x256xf32, #tpu.memory_space<vmem>>
      %dma_start3A_232 = arith.constant 0 : i32
      %dma_start3A_233 = tpu.memref_slice %arg8[%add3A_225, %dma_start3A_232] : memref<160000x256xf32, #tpu.memory_space<hbm>> -> memref<128x256xf32, #tpu.memory_space<hbm>>
      %dma_start3A_234 = tpu.memref_slice %arg20[%dma_start3A_227] : memref<2x!tpu.dma_semaphore, #tpu.memory_space<semaphore_mem>> -> memref<1x!tpu.dma_semaphore, #tpu.memory_space<semaphore_mem>>
      %dma_start3A_235 = tpu.memref_squeeze %dma_start3A_234 : memref<1x!tpu.dma_semaphore, #tpu.memory_space<semaphore_mem>> -> memref<!tpu.dma_semaphore, #tpu.memory_space<semaphore_mem>>
      %dma_start3A_236 = arith.constant 0 : i32
      %dma_start3A_237 = tpu.memref_slice %arg8[%add3A_225, %dma_start3A_236] : memref<160000x256xf32, #tpu.memory_space<hbm>> -> memref<128x256xf32, #tpu.memory_space<hbm>>
      %dma_start3A_238 = arith.constant 0 : i32
      %dma_start3A_239 = arith.constant 0 : i32
      %dma_start3A_240 = tpu.memref_slice %arg18[%dma_start3A_226, %dma_start3A_238, %dma_start3A_239] : memref<2x128x256xf32, #tpu.memory_space<vmem>> -> memref<1x128x256xf32, #tpu.memory_space<vmem>>
      %dma_start3A_241 = tpu.memref_squeeze %dma_start3A_240 : memref<1x128x256xf32, #tpu.memory_space<vmem>> -> memref<128x256xf32, #tpu.memory_space<vmem>>
      tpu.enqueue_dma source(%dma_start3A_241 : memref<128x256xf32, #tpu.memory_space<vmem>>) target(%dma_start3A_237 : memref<128x256xf32, #tpu.memory_space<hbm>>) target_semaphore(%dma_start3A_235 : memref<!tpu.dma_semaphore, #tpu.memory_space<semaphore_mem>>)
    }
    %while3A_122 = arith.constant 1 : i32
    scf.for %while3A_144 = %while3A_120 to %while3A_116 step %while3A_122  : i32 {
      %mul3A_145 = arith.constant 2 : i32
      %mul3A_146 = arith.muli %while3A_144, %mul3A_145 : i32
      %add3A_147 = arith.constant 0 : i32
      %add3A_148 = arith.addi %mul3A_146, %add3A_147 : i32
      %ge3A = arith.constant 1 : i32
      %ge3A_149 = arith.cmpi sge, %add3A_148, %ge3A : i32
      %convert_element_type3A_150 = arith.extui %ge3A_149 : i1 to i32
      %cond3A_151 = arith.constant 0 : i32
      %cond3A_152 = arith.cmpi ne, %convert_element_type3A_150, %cond3A_151 : i32
      scf.if %cond3A_152 {
        %sub3A_242 = arith.constant 1 : i32
        %sub3A_243 = arith.subi %add3A_148, %sub3A_242 : i32
        %mul3A_244 = arith.constant 128 : i32
        %mul3A_245 = arith.muli %sub3A_243, %mul3A_244 : i32
        %add3A_246 = arith.addi %mul3A_2, %mul3A_245 : i32
        %dma_wait3A_247 = arith.constant 1 : i32
        %dma_wait3A_248 = arith.constant 1 : i32
        %dma_wait3A_249 = arith.constant 0 : i32
        %dma_wait3A_250 = arith.constant 0 : i32
        %dma_wait3A_251 = tpu.memref_slice %arg18[%dma_wait3A_247, %dma_wait3A_249, %dma_wait3A_250] : memref<2x128x256xf32, #tpu.memory_space<vmem>> -> memref<1x128x256xf32, #tpu.memory_space<vmem>>
        %dma_wait3A_252 = tpu.memref_squeeze %dma_wait3A_251 : memref<1x128x256xf32, #tpu.memory_space<vmem>> -> memref<128x256xf32, #tpu.memory_space<vmem>>
        %dma_wait3A_253 = arith.constant 0 : i32
        %dma_wait3A_254 = tpu.memref_slice %arg8[%add3A_246, %dma_wait3A_253] : memref<160000x256xf32, #tpu.memory_space<hbm>> -> memref<128x256xf32, #tpu.memory_space<hbm>>
        %dma_wait3A_255 = tpu.memref_slice %arg20[%dma_wait3A_248] : memref<2x!tpu.dma_semaphore, #tpu.memory_space<semaphore_mem>> -> memref<1x!tpu.dma_semaphore, #tpu.memory_space<semaphore_mem>>
        %dma_wait3A_256 = tpu.memref_squeeze %dma_wait3A_255 : memref<1x!tpu.dma_semaphore, #tpu.memory_space<semaphore_mem>> -> memref<!tpu.dma_semaphore, #tpu.memory_space<semaphore_mem>>
        %dma_wait3A_257 = arith.constant 0 : i32
        %dma_wait3A_258 = tpu.memref_slice %arg8[%add3A_246, %dma_wait3A_257] : memref<160000x256xf32, #tpu.memory_space<hbm>> -> memref<128x256xf32, #tpu.memory_space<hbm>>
        %dma_wait3A_259 = arith.constant 0 : i32
        %dma_wait3A_260 = arith.constant 0 : i32
        %dma_wait3A_261 = tpu.memref_slice %arg18[%dma_wait3A_247, %dma_wait3A_259, %dma_wait3A_260] : memref<2x128x256xf32, #tpu.memory_space<vmem>> -> memref<1x128x256xf32, #tpu.memory_space<vmem>>
        %dma_wait3A_262 = tpu.memref_squeeze %dma_wait3A_261 : memref<1x128x256xf32, #tpu.memory_space<vmem>> -> memref<128x256xf32, #tpu.memory_space<vmem>>
        tpu.wait_dma2 semaphore(%dma_wait3A_256 : memref<!tpu.dma_semaphore, #tpu.memory_space<semaphore_mem>>) src(%dma_wait3A_262 : memref<128x256xf32, #tpu.memory_space<vmem>>) dst(%dma_wait3A_258 : memref<128x256xf32, #tpu.memory_space<hbm>>)
      } else {
      }
      %sub3A_153 = arith.constant 1 : i32
      %sub3A_154 = arith.subi %select_n3A, %sub3A_153 : i32
      %lt3A_155 = arith.cmpi slt, %add3A_148, %sub3A_154 : i32
      %convert_element_type3A_156 = arith.extui %lt3A_155 : i1 to i32
      %cond3A_157 = arith.constant 0 : i32
      %cond3A_158 = arith.cmpi ne, %convert_element_type3A_156, %cond3A_157 : i32
      scf.if %cond3A_158 {
        %add3A_242 = arith.constant 1 : i32
        %add3A_243 = arith.addi %add3A_148, %add3A_242 : i32
        %mul3A_244 = arith.constant 128 : i32
        %mul3A_245 = arith.muli %add3A_243, %mul3A_244 : i32
        %scan3A_246 = arith.constant 0 : i32
        %scan3A_247 = arith.constant 0 : i32
        %scan3A_248 = arith.constant 8 : i32
        %scan3A_249 = arith.addi %scan3A_247, %scan3A_248 : i32
        %scan3A_250 = arith.constant 1 : i32
        scf.for %scan3A_269 = %scan3A_247 to %scan3A_249 step %scan3A_250  : i32 {
          %mul3A_270 = arith.constant 16 : i32
          %mul3A_271 = arith.muli %scan3A_269, %mul3A_270 : i32
          %add3A_272 = arith.addi %mul3A_245, %mul3A_271 : i32
          %get3A = arith.index_cast %add3A_272 : i32 to index
          %get3A_273 = tpu.vector_load %arg9[%get3A] {strides = array<i32>} : memref<5120xi32, #tpu.memory_space<vmem>>, vector<16xi32>,
          %get3A_274 = arith.index_cast %add3A_272 : i32 to index
          %get3A_275 = tpu.vector_load %arg10[%get3A_274] {strides = array<i32>} : memref<5120xi32, #tpu.memory_space<vmem>>, vector<16xi32>,
          %get3A_276 = arith.index_cast %add3A_272 : i32 to index
          %get3A_277 = tpu.vector_load %arg11[%get3A_276] {strides = array<i32>} : memref<5120xi32, #tpu.memory_space<vmem>>, vector<16xi32>,
          %mul3A_278 = arith.constant 12 : i32
          %mul3A_279 = vector.broadcast %mul3A_278 : i32 to vector<16xi32>
          %mul3A_280 = arith.muli %get3A_273, %mul3A_279 : vector<16xi32>
          %mul3A_281 = arith.constant 2 : i32
          %mul3A_282 = vector.broadcast %mul3A_281 : i32 to vector<16xi32>
          %mul3A_283 = arith.muli %get3A_275, %mul3A_282 : vector<16xi32>
          %add3A_284 = arith.addi %mul3A_280, %mul3A_283 : vector<16xi32>
          %add3A_285 = arith.addi %add3A_284, %get3A_277 : vector<16xi32>
          %mul3A_286 = arith.constant 16 : i32
          %mul3A_287 = arith.muli %scan3A_269, %mul3A_286 : i32
          %swap3A = arith.constant 1 : i32
          %swap3A_288 = arith.index_cast %swap3A : i32 to index
          %swap3A_289 = arith.index_cast %mul3A_287 : i32 to index
          %swap3A_290 = tpu.vector_load %arg12[%swap3A_288, %swap3A_289] {strides = array<i32>} : memref<2x128xi32, #tpu.memory_space<vmem>>, vector<16xi32>,
          tpu.vector_store %arg12[%swap3A_288, %swap3A_289], %add3A_285 {strides = array<i32>} : memref<2x128xi32, #tpu.memory_space<vmem>>, vector<16xi32>,
        }
        %scan3A_251 = arith.constant 8 : i32
        %add3A_252 = arith.constant 1 : i32
        %add3A_253 = arith.addi %add3A_148, %add3A_252 : i32
        %dma_start3A_254 = arith.constant 1 : i32
        %dma_start3A_255 = arith.constant 1 : i32
        %dma_start3A_256 = arith.constant 1 : i32
        %dma_start3A_257 = arith.constant 0 : i32
        %dma_start3A_258 = arith.constant 0 : i32
        %dma_start3A_259 = tpu.memref_slice %arg18[%dma_start3A_255, %dma_start3A_257, %dma_start3A_258] : memref<2x128x256xf32, #tpu.memory_space<vmem>> -> memref<1x128x256xf32, #tpu.memory_space<vmem>>
        %dma_start3A_260 = tpu.memref_squeeze %dma_start3A_259 : memref<1x128x256xf32, #tpu.memory_space<vmem>> -> memref<128x256xf32, #tpu.memory_space<vmem>>
        %dma_start3A_261 = arith.constant 0 : i32
        %dma_start3A_262 = tpu.memref_slice %arg12[%dma_start3A_254, %dma_start3A_261] : memref<2x128xi32, #tpu.memory_space<vmem>> -> memref<1x128xi32, #tpu.memory_space<vmem>>
        %dma_start3A_263 = tpu.memref_squeeze %dma_start3A_262 : memref<1x128xi32, #tpu.memory_space<vmem>> -> memref<128xi32, #tpu.memory_space<vmem>>
        %dma_start3A_264 = arith.constant 0 : i32
        %dma_start3A_265 = arith.constant 0 : i32
        %dma_start3A_266 = tpu.memref_slice %arg17[%dma_start3A_264, %dma_start3A_265] : memref<60x256xf32, #tpu.memory_space<vmem_shared>> -> memref<60x256xf32, #tpu.memory_space<vmem_shared>>
        %dma_start3A_267 = tpu.memref_slice %arg19[%dma_start3A_256] : memref<2x!tpu.dma_semaphore, #tpu.memory_space<semaphore_mem>> -> memref<1x!tpu.dma_semaphore, #tpu.memory_space<semaphore_mem>>
        %dma_start3A_268 = tpu.memref_squeeze %dma_start3A_267 : memref<1x!tpu.dma_semaphore, #tpu.memory_space<semaphore_mem>> -> memref<!tpu.dma_semaphore, #tpu.memory_space<semaphore_mem>>
        tpu.enqueue_indirect_dma source(%dma_start3A_266 : memref<60x256xf32, #tpu.memory_space<vmem_shared>>) target(%dma_start3A_260 : memref<128x256xf32, #tpu.memory_space<vmem>>) offsets(%dma_start3A_263 : memref<128xi32, #tpu.memory_space<vmem>>) semaphore(%dma_start3A_268 : memref<!tpu.dma_semaphore, #tpu.memory_space<semaphore_mem>>)
      } else {
      }
      %dma_wait3A_159 = arith.constant 0 : i32
      %dma_wait3A_160 = arith.constant 0 : i32
      %dma_wait3A_161 = arith.constant 0 : i32
      %dma_wait3A_162 = arith.constant 0 : i32
      %dma_wait3A_163 = arith.constant 0 : i32
      %dma_wait3A_164 = tpu.memref_slice %arg18[%dma_wait3A_160, %dma_wait3A_162, %dma_wait3A_163] : memref<2x128x256xf32, #tpu.memory_space<vmem>> -> memref<1x128x256xf32, #tpu.memory_space<vmem>>
      %dma_wait3A_165 = tpu.memref_squeeze %dma_wait3A_164 : memref<1x128x256xf32, #tpu.memory_space<vmem>> -> memref<128x256xf32, #tpu.memory_space<vmem>>
      %dma_wait3A_166 = arith.constant 0 : i32
      %dma_wait3A_167 = tpu.memref_slice %arg12[%dma_wait3A_159, %dma_wait3A_166] : memref<2x128xi32, #tpu.memory_space<vmem>> -> memref<1x128xi32, #tpu.memory_space<vmem>>
      %dma_wait3A_168 = tpu.memref_squeeze %dma_wait3A_167 : memref<1x128xi32, #tpu.memory_space<vmem>> -> memref<128xi32, #tpu.memory_space<vmem>>
      %dma_wait3A_169 = arith.constant 0 : i32
      %dma_wait3A_170 = arith.constant 0 : i32
      %dma_wait3A_171 = tpu.memref_slice %arg17[%dma_wait3A_169, %dma_wait3A_170] : memref<60x256xf32, #tpu.memory_space<vmem_shared>> -> memref<60x256xf32, #tpu.memory_space<vmem_shared>>
      %dma_wait3A_172 = tpu.memref_slice %arg19[%dma_wait3A_161] : memref<2x!tpu.dma_semaphore, #tpu.memory_space<semaphore_mem>> -> memref<1x!tpu.dma_semaphore, #tpu.memory_space<semaphore_mem>>
      %dma_wait3A_173 = tpu.memref_squeeze %dma_wait3A_172 : memref<1x!tpu.dma_semaphore, #tpu.memory_space<semaphore_mem>> -> memref<!tpu.dma_semaphore, #tpu.memory_space<semaphore_mem>>
      tpu.wait_indirect_dma semaphore(%dma_wait3A_173 : memref<!tpu.dma_semaphore, #tpu.memory_space<semaphore_mem>>) src(%dma_wait3A_171 : memref<60x256xf32, #tpu.memory_space<vmem_shared>>) dst(%dma_wait3A_165 : memref<128x256xf32, #tpu.memory_space<vmem>>)
      %mul3A_174 = arith.constant 128 : i32
      %mul3A_175 = arith.muli %add3A_148, %mul3A_174 : i32
      %add3A_176 = arith.addi %mul3A_2, %mul3A_175 : i32
      %dma_start3A_177 = arith.constant 0 : i32
      %dma_start3A_178 = arith.constant 0 : i32
      %dma_start3A_179 = arith.constant 0 : i32
      %dma_start3A_180 = arith.constant 0 : i32
      %dma_start3A_181 = tpu.memref_slice %arg18[%dma_start3A_177, %dma_start3A_179, %dma_start3A_180] : memref<2x128x256xf32, #tpu.memory_space<vmem>> -> memref<1x128x256xf32, #tpu.memory_space<vmem>>
      %dma_start3A_182 = tpu.memref_squeeze %dma_start3A_181 : memref<1x128x256xf32, #tpu.memory_space<vmem>> -> memref<128x256xf32, #tpu.memory_space<vmem>>
      %dma_start3A_183 = arith.constant 0 : i32
      %dma_start3A_184 = tpu.memref_slice %arg8[%add3A_176, %dma_start3A_183] : memref<160000x256xf32, #tpu.memory_space<hbm>> -> memref<128x256xf32, #tpu.memory_space<hbm>>
      %dma_start3A_185 = tpu.memref_slice %arg20[%dma_start3A_178] : memref<2x!tpu.dma_semaphore, #tpu.memory_space<semaphore_mem>> -> memref<1x!tpu.dma_semaphore, #tpu.memory_space<semaphore_mem>>
      %dma_start3A_186 = tpu.memref_squeeze %dma_start3A_185 : memref<1x!tpu.dma_semaphore, #tpu.memory_space<semaphore_mem>> -> memref<!tpu.dma_semaphore, #tpu.memory_space<semaphore_mem>>
      %dma_start3A_187 = arith.constant 0 : i32
      %dma_start3A_188 = tpu.memref_slice %arg8[%add3A_176, %dma_start3A_187] : memref<160000x256xf32, #tpu.memory_space<hbm>> -> memref<128x256xf32, #tpu.memory_space<hbm>>
      %dma_start3A_189 = arith.constant 0 : i32
      %dma_start3A_190 = arith.constant 0 : i32
      %dma_start3A_191 = tpu.memref_slice %arg18[%dma_start3A_177, %dma_start3A_189, %dma_start3A_190] : memref<2x128x256xf32, #tpu.memory_space<vmem>> -> memref<1x128x256xf32, #tpu.memory_space<vmem>>
      %dma_start3A_192 = tpu.memref_squeeze %dma_start3A_191 : memref<1x128x256xf32, #tpu.memory_space<vmem>> -> memref<128x256xf32, #tpu.memory_space<vmem>>
      tpu.enqueue_dma source(%dma_start3A_192 : memref<128x256xf32, #tpu.memory_space<vmem>>) target(%dma_start3A_188 : memref<128x256xf32, #tpu.memory_space<hbm>>) target_semaphore(%dma_start3A_186 : memref<!tpu.dma_semaphore, #tpu.memory_space<semaphore_mem>>)
      %mul3A_193 = arith.constant 2 : i32
      %mul3A_194 = arith.muli %while3A_144, %mul3A_193 : i32
      %add3A_195 = arith.constant 1 : i32
      %add3A_196 = arith.addi %mul3A_194, %add3A_195 : i32
      %ge3A_197 = arith.constant 1 : i32
      %ge3A_198 = arith.cmpi sge, %add3A_196, %ge3A_197 : i32
      %convert_element_type3A_199 = arith.extui %ge3A_198 : i1 to i32
      %cond3A_200 = arith.constant 0 : i32
      %cond3A_201 = arith.cmpi ne, %convert_element_type3A_199, %cond3A_200 : i32
      scf.if %cond3A_201 {
        %sub3A_242 = arith.constant 1 : i32
        %sub3A_243 = arith.subi %add3A_196, %sub3A_242 : i32
        %mul3A_244 = arith.constant 128 : i32
        %mul3A_245 = arith.muli %sub3A_243, %mul3A_244 : i32
        %add3A_246 = arith.addi %mul3A_2, %mul3A_245 : i32
        %dma_wait3A_247 = arith.constant 0 : i32
        %dma_wait3A_248 = arith.constant 0 : i32
        %dma_wait3A_249 = arith.constant 0 : i32
        %dma_wait3A_250 = arith.constant 0 : i32
        %dma_wait3A_251 = tpu.memref_slice %arg18[%dma_wait3A_247, %dma_wait3A_249, %dma_wait3A_250] : memref<2x128x256xf32, #tpu.memory_space<vmem>> -> memref<1x128x256xf32, #tpu.memory_space<vmem>>
        %dma_wait3A_252 = tpu.memref_squeeze %dma_wait3A_251 : memref<1x128x256xf32, #tpu.memory_space<vmem>> -> memref<128x256xf32, #tpu.memory_space<vmem>>
        %dma_wait3A_253 = arith.constant 0 : i32
        %dma_wait3A_254 = tpu.memref_slice %arg8[%add3A_246, %dma_wait3A_253] : memref<160000x256xf32, #tpu.memory_space<hbm>> -> memref<128x256xf32, #tpu.memory_space<hbm>>
        %dma_wait3A_255 = tpu.memref_slice %arg20[%dma_wait3A_248] : memref<2x!tpu.dma_semaphore, #tpu.memory_space<semaphore_mem>> -> memref<1x!tpu.dma_semaphore, #tpu.memory_space<semaphore_mem>>
        %dma_wait3A_256 = tpu.memref_squeeze %dma_wait3A_255 : memref<1x!tpu.dma_semaphore, #tpu.memory_space<semaphore_mem>> -> memref<!tpu.dma_semaphore, #tpu.memory_space<semaphore_mem>>
        %dma_wait3A_257 = arith.constant 0 : i32
        %dma_wait3A_258 = tpu.memref_slice %arg8[%add3A_246, %dma_wait3A_257] : memref<160000x256xf32, #tpu.memory_space<hbm>> -> memref<128x256xf32, #tpu.memory_space<hbm>>
        %dma_wait3A_259 = arith.constant 0 : i32
        %dma_wait3A_260 = arith.constant 0 : i32
        %dma_wait3A_261 = tpu.memref_slice %arg18[%dma_wait3A_247, %dma_wait3A_259, %dma_wait3A_260] : memref<2x128x256xf32, #tpu.memory_space<vmem>> -> memref<1x128x256xf32, #tpu.memory_space<vmem>>
        %dma_wait3A_262 = tpu.memref_squeeze %dma_wait3A_261 : memref<1x128x256xf32, #tpu.memory_space<vmem>> -> memref<128x256xf32, #tpu.memory_space<vmem>>
        tpu.wait_dma2 semaphore(%dma_wait3A_256 : memref<!tpu.dma_semaphore, #tpu.memory_space<semaphore_mem>>) src(%dma_wait3A_262 : memref<128x256xf32, #tpu.memory_space<vmem>>) dst(%dma_wait3A_258 : memref<128x256xf32, #tpu.memory_space<hbm>>)
      } else {
      }
      %sub3A_202 = arith.constant 1 : i32
      %sub3A_203 = arith.subi %select_n3A, %sub3A_202 : i32
      %lt3A_204 = arith.cmpi slt, %add3A_196, %sub3A_203 : i32
      %convert_element_type3A_205 = arith.extui %lt3A_204 : i1 to i32
      %cond3A_206 = arith.constant 0 : i32
      %cond3A_207 = arith.cmpi ne, %convert_element_type3A_205, %cond3A_206 : i32
      scf.if %cond3A_207 {
        %add3A_242 = arith.constant 1 : i32
        %add3A_243 = arith.addi %add3A_196, %add3A_242 : i32
        %mul3A_244 = arith.constant 128 : i32
        %mul3A_245 = arith.muli %add3A_243, %mul3A_244 : i32
        %scan3A_246 = arith.constant 0 : i32
        %scan3A_247 = arith.constant 0 : i32
        %scan3A_248 = arith.constant 8 : i32
        %scan3A_249 = arith.addi %scan3A_247, %scan3A_248 : i32
        %scan3A_250 = arith.constant 1 : i32
        scf.for %scan3A_269 = %scan3A_247 to %scan3A_249 step %scan3A_250  : i32 {
          %mul3A_270 = arith.constant 16 : i32
          %mul3A_271 = arith.muli %scan3A_269, %mul3A_270 : i32
          %add3A_272 = arith.addi %mul3A_245, %mul3A_271 : i32
          %get3A = arith.index_cast %add3A_272 : i32 to index
          %get3A_273 = tpu.vector_load %arg9[%get3A] {strides = array<i32>} : memref<5120xi32, #tpu.memory_space<vmem>>, vector<16xi32>,
          %get3A_274 = arith.index_cast %add3A_272 : i32 to index
          %get3A_275 = tpu.vector_load %arg10[%get3A_274] {strides = array<i32>} : memref<5120xi32, #tpu.memory_space<vmem>>, vector<16xi32>,
          %get3A_276 = arith.index_cast %add3A_272 : i32 to index
          %get3A_277 = tpu.vector_load %arg11[%get3A_276] {strides = array<i32>} : memref<5120xi32, #tpu.memory_space<vmem>>, vector<16xi32>,
          %mul3A_278 = arith.constant 12 : i32
          %mul3A_279 = vector.broadcast %mul3A_278 : i32 to vector<16xi32>
          %mul3A_280 = arith.muli %get3A_273, %mul3A_279 : vector<16xi32>
          %mul3A_281 = arith.constant 2 : i32
          %mul3A_282 = vector.broadcast %mul3A_281 : i32 to vector<16xi32>
          %mul3A_283 = arith.muli %get3A_275, %mul3A_282 : vector<16xi32>
          %add3A_284 = arith.addi %mul3A_280, %mul3A_283 : vector<16xi32>
          %add3A_285 = arith.addi %add3A_284, %get3A_277 : vector<16xi32>
          %mul3A_286 = arith.constant 16 : i32
          %mul3A_287 = arith.muli %scan3A_269, %mul3A_286 : i32
          %swap3A = arith.constant 0 : i32
          %swap3A_288 = arith.index_cast %swap3A : i32 to index
          %swap3A_289 = arith.index_cast %mul3A_287 : i32 to index
          %swap3A_290 = tpu.vector_load %arg12[%swap3A_288, %swap3A_289] {strides = array<i32>} : memref<2x128xi32, #tpu.memory_space<vmem>>, vector<16xi32>,
          tpu.vector_store %arg12[%swap3A_288, %swap3A_289], %add3A_285 {strides = array<i32>} : memref<2x128xi32, #tpu.memory_space<vmem>>, vector<16xi32>,
        }
        %scan3A_251 = arith.constant 8 : i32
        %add3A_252 = arith.constant 1 : i32
        %add3A_253 = arith.addi %add3A_196, %add3A_252 : i32
        %dma_start3A_254 = arith.constant 0 : i32
        %dma_start3A_255 = arith.constant 0 : i32
        %dma_start3A_256 = arith.constant 0 : i32
        %dma_start3A_257 = arith.constant 0 : i32
        %dma_start3A_258 = arith.constant 0 : i32
        %dma_start3A_259 = tpu.memref_slice %arg18[%dma_start3A_255, %dma_start3A_257, %dma_start3A_258] : memref<2x128x256xf32, #tpu.memory_space<vmem>> -> memref<1x128x256xf32, #tpu.memory_space<vmem>>
        %dma_start3A_260 = tpu.memref_squeeze %dma_start3A_259 : memref<1x128x256xf32, #tpu.memory_space<vmem>> -> memref<128x256xf32, #tpu.memory_space<vmem>>
        %dma_start3A_261 = arith.constant 0 : i32
        %dma_start3A_262 = tpu.memref_slice %arg12[%dma_start3A_254, %dma_start3A_261] : memref<2x128xi32, #tpu.memory_space<vmem>> -> memref<1x128xi32, #tpu.memory_space<vmem>>
        %dma_start3A_263 = tpu.memref_squeeze %dma_start3A_262 : memref<1x128xi32, #tpu.memory_space<vmem>> -> memref<128xi32, #tpu.memory_space<vmem>>
        %dma_start3A_264 = arith.constant 0 : i32
        %dma_start3A_265 = arith.constant 0 : i32
        %dma_start3A_266 = tpu.memref_slice %arg17[%dma_start3A_264, %dma_start3A_265] : memref<60x256xf32, #tpu.memory_space<vmem_shared>> -> memref<60x256xf32, #tpu.memory_space<vmem_shared>>
        %dma_start3A_267 = tpu.memref_slice %arg19[%dma_start3A_256] : memref<2x!tpu.dma_semaphore, #tpu.memory_space<semaphore_mem>> -> memref<1x!tpu.dma_semaphore, #tpu.memory_space<semaphore_mem>>
        %dma_start3A_268 = tpu.memref_squeeze %dma_start3A_267 : memref<1x!tpu.dma_semaphore, #tpu.memory_space<semaphore_mem>> -> memref<!tpu.dma_semaphore, #tpu.memory_space<semaphore_mem>>
        tpu.enqueue_indirect_dma source(%dma_start3A_266 : memref<60x256xf32, #tpu.memory_space<vmem_shared>>) target(%dma_start3A_260 : memref<128x256xf32, #tpu.memory_space<vmem>>) offsets(%dma_start3A_263 : memref<128xi32, #tpu.memory_space<vmem>>) semaphore(%dma_start3A_268 : memref<!tpu.dma_semaphore, #tpu.memory_space<semaphore_mem>>)
      } else {
      }
      %dma_wait3A_208 = arith.constant 1 : i32
      %dma_wait3A_209 = arith.constant 1 : i32
      %dma_wait3A_210 = arith.constant 1 : i32
      %dma_wait3A_211 = arith.constant 0 : i32
      %dma_wait3A_212 = arith.constant 0 : i32
      %dma_wait3A_213 = tpu.memref_slice %arg18[%dma_wait3A_209, %dma_wait3A_211, %dma_wait3A_212] : memref<2x128x256xf32, #tpu.memory_space<vmem>> -> memref<1x128x256xf32, #tpu.memory_space<vmem>>
      %dma_wait3A_214 = tpu.memref_squeeze %dma_wait3A_213 : memref<1x128x256xf32, #tpu.memory_space<vmem>> -> memref<128x256xf32, #tpu.memory_space<vmem>>
      %dma_wait3A_215 = arith.constant 0 : i32
      %dma_wait3A_216 = tpu.memref_slice %arg12[%dma_wait3A_208, %dma_wait3A_215] : memref<2x128xi32, #tpu.memory_space<vmem>> -> memref<1x128xi32, #tpu.memory_space<vmem>>
      %dma_wait3A_217 = tpu.memref_squeeze %dma_wait3A_216 : memref<1x128xi32, #tpu.memory_space<vmem>> -> memref<128xi32, #tpu.memory_space<vmem>>
      %dma_wait3A_218 = arith.constant 0 : i32
      %dma_wait3A_219 = arith.constant 0 : i32
      %dma_wait3A_220 = tpu.memref_slice %arg17[%dma_wait3A_218, %dma_wait3A_219] : memref<60x256xf32, #tpu.memory_space<vmem_shared>> -> memref<60x256xf32, #tpu.memory_space<vmem_shared>>
      %dma_wait3A_221 = tpu.memref_slice %arg19[%dma_wait3A_210] : memref<2x!tpu.dma_semaphore, #tpu.memory_space<semaphore_mem>> -> memref<1x!tpu.dma_semaphore, #tpu.memory_space<semaphore_mem>>
      %dma_wait3A_222 = tpu.memref_squeeze %dma_wait3A_221 : memref<1x!tpu.dma_semaphore, #tpu.memory_space<semaphore_mem>> -> memref<!tpu.dma_semaphore, #tpu.memory_space<semaphore_mem>>
      tpu.wait_indirect_dma semaphore(%dma_wait3A_222 : memref<!tpu.dma_semaphore, #tpu.memory_space<semaphore_mem>>) src(%dma_wait3A_220 : memref<60x256xf32, #tpu.memory_space<vmem_shared>>) dst(%dma_wait3A_214 : memref<128x256xf32, #tpu.memory_space<vmem>>)
      %mul3A_223 = arith.constant 128 : i32
      %mul3A_224 = arith.muli %add3A_196, %mul3A_223 : i32
      %add3A_225 = arith.addi %mul3A_2, %mul3A_224 : i32
      %dma_start3A_226 = arith.constant 1 : i32
      %dma_start3A_227 = arith.constant 1 : i32
      %dma_start3A_228 = arith.constant 0 : i32
      %dma_start3A_229 = arith.constant 0 : i32
      %dma_start3A_230 = tpu.memref_slice %arg18[%dma_start3A_226, %dma_start3A_228, %dma_start3A_229] : memref<2x128x256xf32, #tpu.memory_space<vmem>> -> memref<1x128x256xf32, #tpu.memory_space<vmem>>
      %dma_start3A_231 = tpu.memref_squeeze %dma_start3A_230 : memref<1x128x256xf32, #tpu.memory_space<vmem>> -> memref<128x256xf32, #tpu.memory_space<vmem>>
      %dma_start3A_232 = arith.constant 0 : i32
      %dma_start3A_233 = tpu.memref_slice %arg8[%add3A_225, %dma_start3A_232] : memref<160000x256xf32, #tpu.memory_space<hbm>> -> memref<128x256xf32, #tpu.memory_space<hbm>>
      %dma_start3A_234 = tpu.memref_slice %arg20[%dma_start3A_227] : memref<2x!tpu.dma_semaphore, #tpu.memory_space<semaphore_mem>> -> memref<1x!tpu.dma_semaphore, #tpu.memory_space<semaphore_mem>>
      %dma_start3A_235 = tpu.memref_squeeze %dma_start3A_234 : memref<1x!tpu.dma_semaphore, #tpu.memory_space<semaphore_mem>> -> memref<!tpu.dma_semaphore, #tpu.memory_space<semaphore_mem>>
      %dma_start3A_236 = arith.constant 0 : i32
      %dma_start3A_237 = tpu.memref_slice %arg8[%add3A_225, %dma_start3A_236] : memref<160000x256xf32, #tpu.memory_space<hbm>> -> memref<128x256xf32, #tpu.memory_space<hbm>>
      %dma_start3A_238 = arith.constant 0 : i32
      %dma_start3A_239 = arith.constant 0 : i32
      %dma_start3A_240 = tpu.memref_slice %arg18[%dma_start3A_226, %dma_start3A_238, %dma_start3A_239] : memref<2x128x256xf32, #tpu.memory_space<vmem>> -> memref<1x128x256xf32, #tpu.memory_space<vmem>>
      %dma_start3A_241 = tpu.memref_squeeze %dma_start3A_240 : memref<1x128x256xf32, #tpu.memory_space<vmem>> -> memref<128x256xf32, #tpu.memory_space<vmem>>
      tpu.enqueue_dma source(%dma_start3A_241 : memref<128x256xf32, #tpu.memory_space<vmem>>) target(%dma_start3A_237 : memref<128x256xf32, #tpu.memory_space<hbm>>) target_semaphore(%dma_start3A_235 : memref<!tpu.dma_semaphore, #tpu.memory_space<semaphore_mem>>)
    }
    %sub3A_123 = arith.constant 1 : i32
    %sub3A_124 = arith.subi %select_n3A, %sub3A_123 : i32
    %mul3A_125 = arith.constant 128 : i32
    %mul3A_126 = arith.muli %sub3A_124, %mul3A_125 : i32
    %add3A_127 = arith.addi %mul3A_2, %mul3A_126 : i32
    %dma_wait3A_128 = arith.constant 1 : i32
    %dma_wait3A_129 = arith.constant 1 : i32
    %dma_wait3A_130 = arith.constant 0 : i32
    %dma_wait3A_131 = arith.constant 0 : i32
    %dma_wait3A_132 = tpu.memref_slice %arg18[%dma_wait3A_128, %dma_wait3A_130, %dma_wait3A_131] : memref<2x128x256xf32, #tpu.memory_space<vmem>> -> memref<1x128x256xf32, #tpu.memory_space<vmem>>
    %dma_wait3A_133 = tpu.memref_squeeze %dma_wait3A_132 : memref<1x128x256xf32, #tpu.memory_space<vmem>> -> memref<128x256xf32, #tpu.memory_space<vmem>>
    %dma_wait3A_134 = arith.constant 0 : i32
    %dma_wait3A_135 = tpu.memref_slice %arg8[%add3A_127, %dma_wait3A_134] : memref<160000x256xf32, #tpu.memory_space<hbm>> -> memref<128x256xf32, #tpu.memory_space<hbm>>
    %dma_wait3A_136 = tpu.memref_slice %arg20[%dma_wait3A_129] : memref<2x!tpu.dma_semaphore, #tpu.memory_space<semaphore_mem>> -> memref<1x!tpu.dma_semaphore, #tpu.memory_space<semaphore_mem>>
    %dma_wait3A_137 = tpu.memref_squeeze %dma_wait3A_136 : memref<1x!tpu.dma_semaphore, #tpu.memory_space<semaphore_mem>> -> memref<!tpu.dma_semaphore, #tpu.memory_space<semaphore_mem>>
    %dma_wait3A_138 = arith.constant 0 : i32
    %dma_wait3A_139 = tpu.memref_slice %arg8[%add3A_127, %dma_wait3A_138] : memref<160000x256xf32, #tpu.memory_space<hbm>> -> memref<128x256xf32, #tpu.memory_space<hbm>>
    %dma_wait3A_140 = arith.constant 0 : i32
    %dma_wait3A_141 = arith.constant 0 : i32
    %dma_wait3A_142 = tpu.memref_slice %arg18[%dma_wait3A_128, %dma_wait3A_140, %dma_wait3A_141] : memref<2x128x256xf32, #tpu.memory_space<vmem>> -> memref<1x128x256xf32, #tpu.memory_space<vmem>>
    %dma_wait3A_143 = tpu.memref_squeeze %dma_wait3A_142 : memref<1x128x256xf32, #tpu.memory_space<vmem>> -> memref<128x256xf32, #tpu.memory_space<vmem>>
    tpu.wait_dma2 semaphore(%dma_wait3A_137 : memref<!tpu.dma_semaphore, #tpu.memory_space<semaphore_mem>>) src(%dma_wait3A_143 : memref<128x256xf32, #tpu.memory_space<vmem>>) dst(%dma_wait3A_139 : memref<128x256xf32, #tpu.memory_space<hbm>>)
    return
  }
}

</mosaic_0001>

<sc_bundles>
// kernel: _run.3.cloned.1.call-start
scs
__scs_entry_jumppad:
0x0: {  	(pc) =	sbr.rel $0x88, $3  }
0x1: {  	(tag) =	ssettag $0x0;
	lr =	simm.s32 $0x1  }
0x2: {  	[smem:$0x3F9B] =	sst lr;
	_ =	strace $0xD0000000  }
0x3: {  	_ = 	snop  }
0x4: {  	_ = 	snop  }
0x5: {  	_ = 	snop  }
0x6: {  	_ = 	snop  }
0x7: {  	_ = 	snop  }
__scs_overlays_trampoline_lowered:
0x8: {  	[smem:$0x3FAA] =	sst s0  }
0x9: {  	[smem:$0x3FAB] =	sst s1  }
0xa: {  	[smem:$0x3FAC] =	sst s2  }
0xb: {  	[smem:$0x3FAD] =	sst s3  }
0xc: {  	[smem:$0x3FAE] =	sst s4  }
0xd: {  	[smem:$0x3FAF] =	sst s5  }
0xe: {  	[smem:$0x3FB0] =	sst s6  }
0xf: {  	[smem:$0x3FB1] =	sst s7  }
0x10: {  	[smem:$0x3FB2] =	sst s8  }
0x11: {  	[smem:$0x3FB3] =	sst s9;
	s0 =	simm.s32 @!p0 $0x0  }
0x12: {  	s1 =	sld [smem:$0x3F99];
	s0 =	simm.s32 @p0 $0x1  }
0x13: {  	[smem:$0x3FB4] =	sst s0;
	s0 =	simm.s32 @!p1 $0x0  }
0x14: {  	s2 =	sld [smem:$0x3F98];
	s0 =	simm.s32 @p1 $0x1  }
0x15: {  	[smem:$0x3FB5] =	sst s0;
	s0 =	simm.s32 @!p2 $0x0  }
0x16: {  	s3 =	sld [smem:$0x3FDB];
	s0 =	simm.s32 @p2 $0x1  }
0x17: {  	s4 =	simm.s32 $0x1BF5;
	[smem:$0x3FB7] =	sst s0  }
0x18: {  	s0 =	sld [smem:$0x3F9A];
	_ =	swait.ge [sflag:s4], $0x0  }
0x19: {  	s7 =	sld [smem:$0x3F9B]  }
0x1a: {  	s8 =	sadd.s32 $0xFFFFE003, lr  }
0x1b: {  	s9 =	sadd.s32 $0xFFFFFEF7, lr;
	s5 =	simm.s32 $0xFFFFFFFF;
	p2 =	slt.u32 s8, $0xFFFFF086  }
0x1c: {  	p1 =	slt.u32 s9, $0xF7A;
	s5 =	simm.s32 @!p2 $0x0  }
0x1d: {  	s5 =	simm.s32 @p1 $0x1;
	p0 =	seq.s32 s7, s2  }
0x1e: {  	s7 =	smul.u32 @!p0 $0xF7A, s2;
	p2 =	seq.s32 @!p0 s5, $0x0  }
0x1f: {  	s9 =	smul.u32 $0xF7A, s1;
	s8 =	simm.s32 @!p0 $0x1BF5;
	p2 =	por !p2, p0  }
0x20: {  	[sflag:s8] =	ssyncset.s32 @!p0 $0xFFFFF086;
	s6 =	sadd.s32 @!p0 s3, s7;
	s7 =	simm.s32 @!p0 $0x108  }
0x21: {  	s3 =	sadd.s32 s3, s9;
	s6 =	sadd.s32 @!p0 $0x88, s6;
	s7 =	simm.s32 @p2 $0x1082  }
0x22: {  	[simem:s7], [sflag:s8] =	dma.local @!p0 [hbm:s6], $0xF7A  }
0x23: {  	s9 =	sor.u32 $0xD0000000, s2;
	s6 =	simm.s32 $0x108;
	_ =	swait.ge @!p0 [sflag:s8], $0x0  }
0x24: {  	s3 =	sadd.s32 $0x88, s3;
	s6 =	simm.s32 @!p1 $0x1082;
	[sflag:s4] =	ssyncset.s32 $0xFFFFF086  }
0x25: {  	[simem:s6], [sflag:s4] =	dma.local [hbm:s3], $0xF7A  }
0x26: {  	[smem:$0x3F9B] =	sst s1;
	(tag) =	ssettag s2;
	_ =	strace s9  }
0x27: {  	s1 =	sld [smem:$0x3FAB]  }
0x28: {  	s2 =	sld [smem:$0x3FAC]  }
0x29: {  	s4 =	sld [smem:$0x3FAE]  }
0x2a: {  	p0 =	seq.s32 s5, $0x0;
	s5 =	sld [smem:$0x3FAF]  }
0x2b: {  	s6 =	sld [smem:$0x3FB0]  }
0x2c: {  	s7 =	sld [smem:$0x3FB1]  }
0x2d: {  	s3 =	simm.s32 $0x108;
	s8 =	sld [smem:$0x3FB2]  }
0x2e: {  	s3 =	simm.s32 @!p0 $0x1082;
	s9 =	sld [smem:$0x3FB3]  }
0x2f: {  	lr =	sadd.s32 s0, s3;
	s0 =	sld [smem:$0x3FAA]  }
0x30: {  	s3 =	sld [smem:$0x3FAD]  }
0x31: {  	[smem:$0x3FB6] =	sst s10  }
0x32: {  	s10 =	sld [smem:$0x3FB4];
	_ =	sdelay $0x3  }
0x33: {  	p0 =	seq.s32 s10, $0x1;
	s10 =	sld [smem:$0x3FB6];
	_ =	sdelay $0x3  }
0x34: {  	[smem:$0x3FB6] =	sst s10  }
0x35: {  	s10 =	sld [smem:$0x3FB5];
	_ =	sdelay $0x3  }
0x36: {  	p1 =	seq.s32 s10, $0x1;
	s10 =	sld [smem:$0x3FB6];
	_ =	sdelay $0x3  }
0x37: {  	[smem:$0x3FB6] =	sst s10  }
0x38: {  	s10 =	sld [smem:$0x3FB7]  }
0x39: {  	_ = 	snop;
	(pc) =	sbr.ind lr, $3  }
0x3a: {  	_ = 	snop  }
0x3b: {  	_ = 	snop  }
0x3c: {  	p2 =	seq.s32 s10, $0x1;
	s10 =	sld [smem:$0x3FB6]  }
0x3d: {  	_ =	shalt  }
0x3e: {  	_ =	shalt  }
0x3f: {  	_ =	shalt  }
0x40: {  	_ =	shalt  }
0x41: {  	_ =	shalt  }
0x42: {  	_ =	shalt  }
0x43: {  	_ =	shalt  }
0x44: {  	_ =	shalt  }
0x45: {  	_ =	shalt  }
0x46: {  	_ =	shalt  }
0x47: {  	_ =	shalt  }
0x48: {  	_ =	shalt  }
0x49: {  	_ =	shalt  }
0x4a: {  	_ =	shalt  }
0x4b: {  	_ =	shalt  }
0x4c: {  	_ =	shalt  }
0x4d: {  	_ =	shalt  }
0x4e: {  	_ =	shalt  }
0x4f: {  	_ =	shalt  }
0x50: {  	_ =	shalt  }
0x51: {  	_ =	shalt  }
0x52: {  	_ =	shalt  }
0x53: {  	_ =	shalt  }
0x54: {  	_ =	shalt  }
0x55: {  	_ =	shalt  }
0x56: {  	_ =	shalt  }
0x57: {  	_ =	shalt  }
0x58: {  	_ =	shalt  }
0x59: {  	_ =	shalt  }
0x5a: {  	_ =	shalt  }
0x5b: {  	_ =	shalt  }
0x5c: {  	_ =	shalt  }
0x5d: {  	_ =	shalt  }
0x5e: {  	_ =	shalt  }
0x5f: {  	_ =	shalt  }
0x60: {  	_ =	shalt  }
0x61: {  	_ =	shalt  }
0x62: {  	_ =	shalt  }
0x63: {  	_ =	shalt  }
0x64: {  	_ =	shalt  }
0x65: {  	_ =	shalt  }
0x66: {  	_ =	shalt  }
0x67: {  	_ =	shalt  }
0x68: {  	_ =	shalt  }
0x69: {  	_ =	shalt  }
0x6a: {  	_ =	shalt  }
0x6b: {  	_ =	shalt  }
0x6c: {  	_ =	shalt  }
0x6d: {  	_ =	shalt  }
0x6e: {  	_ =	shalt  }
0x6f: {  	_ =	shalt  }
0x70: {  	_ =	shalt  }
0x71: {  	_ =	shalt  }
0x72: {  	_ =	shalt  }
0x73: {  	_ =	shalt  }
0x74: {  	_ =	shalt  }
0x75: {  	_ =	shalt  }
0x76: {  	_ =	shalt  }
0x77: {  	_ =	shalt  }
0x78: {  	_ =	shalt  }
0x79: {  	_ =	shalt  }
0x7a: {  	_ =	shalt  }
0x7b: {  	_ =	shalt  }
0x7c: {  	_ =	shalt  }
0x7d: {  	_ =	shalt  }
0x7e: {  	_ =	shalt  }
0x7f: {  	_ =	shalt  }
0x80: {  	_ =	shalt  }
0x81: {  	_ =	shalt  }
0x82: {  	_ =	shalt  }
0x83: {  	_ =	shalt  }
0x84: {  	_ =	shalt  }
0x85: {  	_ =	shalt  }
0x86: {  	_ =	shalt  }
0x87: {  	_ =	shalt  }
.Lfunc_end0:
.L_simem_size_0:
called_computation_lowered:
.L_overlay_start_0:
0x88: {  	s2 =	sld [smem:$0x3FD9]  }
0x89: {  	s3 =	sld [smem:$0x3FFE];
	_ =	sdelay $0x1  }
0x8a: {  	s1 =	srdreg.scid  }
0x8b: {  	s0 =	sand.u32 $0x1, s1  }
0x8c: {  	s17 =	sshll.u32 s0, $0xA;
	s2 =	sadd.s32 s3, s2  }
0x8d: {  	s2 =	sadd.s32 s2, s17  }
0x8e: {  	[smem:$0x3FC2] =	sst s2  }
0x8f: {  	_ = 	snop  }
0x90: {  	s2 =	sld [smem:$0x3FC9]  }
0x91: {  	s18 =	sld [smem:$0x3FC8]  }
0x92: {  	s4 =	sld [smem:$0x3FC7]  }
0x93: {  	s5 =	sld [smem:$0x3FD0];
	(tm) =	ssettm $0x1  }
0x94: {  	s6 =	sld [smem:$0x3FFB];
	_ =	sdelay $0x3  }
0x95: {  	_ =	strace s6  }
0x96: {  	s6 =	sld [smem:$0x3FFC];
	_ =	sdelay $0x3  }
0x97: {  	_ =	strace s6  }
0x98: {  	s6 =	sld [smem:$0x3FFD];
	_ =	sdelay $0x3  }
0x99: {  	_ =	strace s6  }
0x9a: {  	_ =	strace $0x8FFFFFFF  }
0x9b: {  	s19 =	sld [smem:$0x3FDB];
	_ =	sdelay $0x1  }
0x9c: {  	s7 =	simm.s32 $_scs_section_size  }
0x9d: {  	s8 =	simm.s32 $_size__tile_overlayer_lowered;
	s9 =	simm.s32 $_tile_overlayer_lowered  }
0x9e: {  	s22 =	simm.s32 $0x1BFF;
	s21 =	sshll.u32 s9, $0x1;
	s6 =	sadd.s32 s7, s19  }
0x9f: {  	s10 =	simm.s32 $0x0;
	s20 =	sshll.u32 s8, $0x1;
	s8 =	sadd.s32 s21, s6  }
0xa0: {  	[timem:s10], [sflag:s22] =	dma.local [hbm:s8], s20  }
0xa1: {  	_ =	swait.ge [sflag:s22], s20  }
0xa2: {  	s7 =	ssub.s32 $0x0, s20;
	[sflag:s22] =	ssyncset.done $0x0  }
0xa3: {  	[sflag:s22] =	ssyncadd.s32 s7;
	_ =	sdelay $0x1  }
0xa4: {  	s23 =	simm.s32 $0x1B8B  }
0xa5: {  	_ =	swait.ge [sflag:s23], $0x1  }
0xa6: {  	[sflag:s23] =	ssyncset.done $0x0  }
0xa7: {  	s25 =	simm.s32 $0x1B8E;
	s24 =	sld [smem:$0x3FFE];
	[sflag:s23] =	ssyncadd.s32 $0xFFFFFFFF  }
0xa8: {  	s26 =	simm.s32 $execute0_lowered;
	[smem:$0x3FD2] =	sst s25  }
0xa9: {  	s8 =	sshll.u32 s26, $0x1;
	_ =	strace $0x80000046;
	[dreg:$0x1] =	wrdreg $0xFFFFFFFF  }
0xaa: {  	s28 =	simm.s32 $_size_execute0_lowered;
	s6 =	sadd.s32 s6, s8;
	[dreg:$0x0] =	wrdreg $0x0  }
0xab: {  	s8 =	sshll.u32 s28, $0x1;
	[dreg:$0x2] =	wrdreg s6  }
0xac: {  	[dreg:$0x3] =	wrdreg s8  }
0xad: {  	[dreg:$0x4] =	wrdreg $0xC0  }
0xae: {  	_ =	task [dreg:s10], $0x5FFFF  }
0xaf: {  	[dreg:$0x1] =	wrdreg $0xFFFFFFFF  }
0xb0: {  	[dreg:$0x0] =	wrdreg $0x60  }
0xb1: {  	[dreg:$0x2] =	wrdreg s2  }
0xb2: {  	[dreg:$0x3] =	wrdreg s18  }
0xb3: {  	[dreg:$0x4] =	wrdreg s4  }
0xb4: {  	[dreg:$0x5] =	wrdreg s5  }
0xb5: {  	[dreg:$0x6] =	wrdreg s24  }
0xb6: {  	[dreg:$0x7] =	wrdreg $0x86000  }
0xb7: {  	[dreg:$0x8] =	wrdreg $0x9  }
0xb8: {  	_ =	task.clear_ibuf [dreg:s10], $0x9FFFF;
	_ =	strace $0x90000046  }
0xb9: {  	s29 =	simm.s32 $0x9;
	_ =	strace $0x80000048  }
0xba: {  	_ =	swait.ge [sflag:s29], $0x1  }
0xbb: {  	[sflag:s29] =	ssyncadd.s32 $0xFFFFFFFF  }
0xbc: {  	_ =	strace $0x90000048  }
0xbd: {  	_ =	sfence  }
0xbe: {  	s30 =	sld [smem:$0x0];
	_ =	sdelay $0x2  }
0xbf: {  	s31 =	sshll.u32 s1, $0xD;
	s1 =	sshrl.u32 s1, $0x2  }
0xc0: {  	s3 =	sand.u32 $0x4000, s31;
	s1 =	sadd.s32 s1, s30  }
0xc1: {  	s0 =	sor.u32 s3, s0;
	s1 =	sshll.u32 s1, $0x11  }
0xc2: {  	s0 =	sor.u32 s1, s0  }
0xc3: {  	s0 =	sadd.s32 $0x8F2B, s0  }
0xc4: {  	[sflag:s0] =	ssyncadd.remote.s32 $0x1  }
0xc5: {  	_ =	sfence.sel $0xFFFF  }
0xc6: {  	[dreg:$0x0] =	wrdreg $0xFFFFFFFF;
	(pc) =	sbr.abs _section_cstart, $3  }
0xc7: {  	[dreg:$0x1] =	wrdreg $0xFFFFFFFF  }
0xc8: {  	_ =	task.clear_ibuf [dreg:s10], $0x2FFFF;
	_ =	strace $0x9FFFFFFF  }
0xc9: {  	(tm) =	ssettm $0x7FFFFFFF  }
tec
execute0_lowered:
.L_overlay_start_1:
0x0: {  	(tag) =	ssettag $0x1  }
0x1: {  	s0 =	rddreg [dreg:$0x0]  }
0x2: {  	s1 =	rddreg [dreg:$0x1]  }
0x3: {  	s2 =	rddreg [dreg:$0x2]  }
0x4: {  	s3 =	srdreg.scid;
	s5 =	rddreg [dreg:$0x4]  }
0x5: {  	s19 =	stileid.u32;
	s4 =	simm.s32 $0x0;
	s28 =	simm.s32 $0x3C00  }
0x6: {  	s29 =	simm.s32 $0x89C0;
	s6 =	sand.u32 $0x1, s3;
	s3 =	rddreg [dreg:$0x5]  }
0x7: {  	s30 =	simm.s32 $0x3C80;
	s31 =	simm.s32 $0x109C0;
	[smem:$0x7FF] =	sst s4  }
0x8: {  	s8 =	sadd.s32 $0x600, s5;
	s9 =	sadd.s32 $0x400, s5;
	s13 =	smul.u32 $0x56, s19  }
0x9: {  	s5 =	sadd.s32 $0x800, s5;
	s20 =	smul.u32 $0xFFFFEC00, s19;
	p0 =	seq.s32 s19, $0xF  }
0xa: {  	s7 =	sshll.u32 s6, $0x4;
	_ =	strace $0x80000047;
	[dreg:$0x7] =	wrdreg s8  }
0xb: {  	v0 =	vlaneseq.u32;
	s14 =	ssub.s32 $0x2, s6;
	[dreg:$0x8] =	wrdreg s9;
	s21 =	smul.u32 $0xFFFEC000, s6  }
0xc: {  	v2 =	vor.u32 $0x10, v0;
	s6 =	smul.u32 $0x1400000, s6;
	s7 =	sor.u32 s19, s7;
	s15 =	sshrl.u32 s14, $0x1  }
0xd: {  	v3 =	vor.u32 $0x20, v0;
	v4 =	vor.u32 $0x30, v0;
	v8 =	vor.u32 $0x40, v0;
	s7 =	smul.u32 $0x1400, s7;
	s11 =	ssub.s32 s14, s15;
	s15 =	sshll.u32 s19, $0xA  }
0xe: {  	v9 =	vor.u32 $0x50, v0;
	v10 =	vor.u32 $0x60, v0;
	v14 =	vor.u32 $0x70, v0;
	s14 =	sshrl.u32 s13, $0x8;
	s22 =	sadd.s32 s15, s3;
	s23 =	sadd.s32 $0x4A00, s15  }
0xf: {  	v15 =	vor.u32 $0x80, v0;
	v16 =	vor.u32 $0x90, v0;
	v20 =	vor.u32 $0xA0, v0;
	s24 =	smul.u32 $0xC, s14;
	s10 =	ssub.s32 $0x27100, s7;
	s17 =	sshrl.u32 s7, $0x3  }
0x10: {  	v21 =	vor.u32 $0xB0, v0;
	v22 =	vor.u32 $0xC0, v0;
	v26 =	vor.u32 $0xD0, v0;
	[dreg:$0xa] =	wrdreg s22;
	s8 =	sadd.s32 s0, s17;
	s0 =	sand.u32 $0x700, s13  }
0x11: {  	v27 =	vor.u32 $0xE0, v0;
	v28 =	vor.u32 $0xF0, v0;
	[dreg:$0xb] =	wrdreg s23;
	s16 =	smin.u32 s10, $0x1400;
	s18 =	sadd.s32 s1, s17;
	v1 =	vor.u32 s0, v0  }
0x12: {  	s9 =	sadd.s32 s2, s17;
	s10 =	sshll.u32 s19, $0x2;
	s1 =	sadd.s32 s21, s20;
	v5 =	vor.u32 s0, v2;
	v6 =	vor.u32 s0, v3;
	v7 =	vor.u32 s0, v4  }
0x13: {  	s20 =	simm.s32 $0x4200;
	s21 =	simm.s32 $0x4800;
	s2 =	simm.s32 $0x4;
	v11 =	vor.u32 s0, v8;
	v12 =	vor.u32 s0, v9;
	v13 =	vor.u32 s0, v10  }
0x14: {  	s12 =	sshrl.u32 s16, $0x7;
	[dreg:$0x9] =	wrdreg s18;
	s16 =	smul.u32 $0x140000, s19;
	v17 =	vor.u32 s0, v14;
	v18 =	vor.u32 s0, v15;
	v19 =	vor.u32 s0, v16  }
0x15: {  	s1 =	sadd.s32 $0x27100, s1;
	s15 =	ssub.s32 s10, s24;
	s19 =	simm.s32 $0x3D00;
	v23 =	vor.u32 s0, v20;
	v24 =	vor.u32 s0, v21;
	v25 =	vor.u32 s0, v22  }
0x16: {  	s24 =	simm.s32 $0x1;
	v29 =	vor.u32 s0, v26;
	v30 =	vor.u32 s0, v27;
	v31 =	vor.u32 s0, v28;
	s0 =	simm.s32 $0x4A00;
	s13 =	sadd.s32 $0xFFFFFFFF, s12  }
.Ltmp0:
0x17: {  	s1 =	smin.u32 s1, $0x1400;
	s12 =	simm.s32 $0x0;
	(pc) =	sbr.rel .LBB2_1-.Ltmp0, $4  }
0x18: {  	s6 =	sadd.s32 s16, s6;
	s16 =	smax.u32 s11, $0x1;
	s17 =	sshll.u32 s1, $0x2  }
0x19: {  	s1 =	simm.s32 $0x3;
	s25 =	sor.u32 $0x8000, s6;
	s6 =	sshrl.u32 s6, $0x3  }
0x1a: {  	s26 =	sshrl.u32 s25, $0x3;
	s18 =	sadd.s32 s6, s5;
	s25 =	simm.s32 $0x2  }
0x1b: {  	s14 =	sadd.s32 s26, s5;
	s26 =	simm.s32 $0x80;
	[dreg:$0xc] =	wrdreg s18  }
.LBB2_11:
0x1c: {  	s12 =	sadd.s32 $0x1, s12  }
0x1d: {  	p1 =	sne.s32 s12, s16  }
.Ltmp1:
0x1e: {  	_ = 	snop;
	(pc) =	sbr.rel @!p1 .LBB2_12-.Ltmp1, $4  }
0x1f: {  	_ = 	snop  }
0x20: {  	_ =	swait.ge [sflag:s2], $0x8000  }
0x21: {  	[sflag:s2] =	ssyncset.done $0x0  }
0x22: {  	[sflag:s2] =	ssyncadd.s32 $0xFFFF8000  }
.LBB2_1:
0x23: {  	s5 =	rddreg [dreg:$0x3]  }
0x24: {  	[tilespmem:s19], [sflag:$0x1] =	stream.linear.gather [hbm4b:s5+s4], $0x500, $0x38;
	[tilespmem:$0x189C0] =	vst v63  }
0x25: {  	s7 =	rddreg [dreg:$0x7]  }
0x26: {  	[tilespmem:s20], [sflag:$0x1] =	stream.linear.gather [hbm4b:s7+s4], $0x600, $0x38;
	[tilespmem:$0x189C0] =	vst v63  }
0x27: {  	s11 =	rddreg [dreg:$0x8]  }
0x28: {  	[tilespmem:s21], [sflag:$0x1] =	stream.linear.gather [hbm4b:s11+s4], $0x200, $0x38;
	[tilespmem:$0x189C0] =	vst v63  }
0x29: {  	_ = 	snop  }
0x2a: {  	[tilespmem:s4], [sflag:$0x2] =	stream.linear.gather [hbm4b:s8+s4], $0x1400, $0x38;
	[tilespmem:$0x189C0] =	vst v63  }
0x2b: {  	s22 =	rddreg [dreg:$0x9];
	s6 =	simm.s32 $0x1400  }
0x2c: {  	[tilespmem:s6], [sflag:$0x2] =	stream.linear.gather [hbm4b:s22+s4], $0x1400, $0x38;
	[tilespmem:$0x189C0] =	vst v63  }
0x2d: {  	s23 =	simm.s32 $0x2800  }
0x2e: {  	[tilespmem:s23], [sflag:$0x2] =	stream.linear.gather [hbm4b:s9+s4], $0x1400, $0x38;
	[tilespmem:$0x189C0] =	vst v63  }
0x2f: {  	_ =	swait.ge [sflag:s24], $0x500  }
0x30: {  	[sflag:s24] =	ssyncset.done $0x0  }
0x31: {  	[sflag:s24] =	ssyncadd.s32 $0xFFFFFB00  }
0x32: {  	_ =	swait.ge [sflag:s24], $0x600  }
.Ltmp2:
0x33: {  	[sflag:s24] =	ssyncset.done $0x0;
	(pc) =	sbr.rel @p0 .LBB2_5-.Ltmp2, $4  }
0x34: {  	[sflag:s24] =	ssyncadd.s32 $0xFFFFFA00  }
0x35: {  	_ =	swait.ge [sflag:s24], $0x200  }
0x36: {  	[sflag:s24] =	ssyncset.done $0x0  }
0x37: {  	p1 =	por $0x0, $0x0;
	[sflag:s24] =	ssyncadd.s32 $0xFFFFFE00  }
0x38: {  	s18 =	smov.u32 s14;
	s14 =	smov.u32 s9;
	s9 =	smov.u32 s8  }
0x39: {  	s5 =	sadd.s32 $0x0, s15;
	s6 =	sand.u32 $0x1, s4;
	s22 =	simm.s32 $0x1  }
0x3a: {  	s11 =	sshrl.u32 s5, $0x1F;
	p2 =	slt.s32 s5, $0x1;
	p3 =	seq.s32 s6, $0x1  }
0x3b: {  	s8 =	sadd.s32 s11, s5;
	p3 =	por !p2, !p3;
	p2 =	por !p2, !p1  }
0x3c: {  	s11 =	simm.s32 $0x1;
	p3 =	por !p3, !p3;
	p2 =	por !p2, !p2  }
0x3d: {  	s6 =	sshra.s32 s8, $0x1;
	s11 =	simm.s32 @!p3 $0x0;
	s22 =	simm.s32 @!p2 $0x0  }
0x3e: {  	s11 =	ssub.s32 s6, s11;
	s6 =	ssub.s32 s6, s22  }
0x3f: {  	s23 =	sshll.u32 s11, $0x8;
	s6 =	sshll.u32 s6, $0x1  }
0x40: {  	v32 =	vor.u32 s23, v0;
	s5 =	ssub.s32 s5, s6  }
0x41: {  	s11 =	sshll.u32 s5, $0x8  }
0x42: {  	v33 =	vor.u32 s11, v0;
	_ =	sdelay $0x1  }
0x43: {  	v34 =	vld.idx.msk [tilespmem:v1+s19+$0x0], $0xffff  }
0x44: {  	v32 =	vld.idx.msk [tilespmem:v32+s20+$0x0], $0xffff;
	_ =	sdelay $0x1  }
0x45: {  	s22 =	sadd.s32 $0x0, s10;
	v33 =	vld.idx.msk [tilespmem:v33+s21+$0x0], $0xffff  }
0x46: {  	s22 =	sshll.u32 s22, $0x8  }
0x47: {  	v35 =	vor.u32 s22, v0  }
0x48: {  	v32 =	vadd.f32 v32, v34  }
0x49: {  	v51 =	vor.u32 s23, v2  }
0x4a: {  	v32 =	vadd.f32 v33, v32  }
0x4b: {  	v52 =	vor.u32 s11, v2  }
0x4c: {  	[tilespmem:v35+s0+$0x0] =	vst.idx.msk $0xffff, v32  }
0x4d: {  	v32 =	vld.idx.msk [tilespmem:v5+s19+$0x0], $0xffff  }
0x4e: {  	v34 =	vld.idx.msk [tilespmem:v51+s20+$0x0], $0xffff;
	_ =	sdelay $0x1  }
0x4f: {  	v33 =	vld.idx.msk [tilespmem:v52+s21+$0x0], $0xffff;
	_ =	sdelay $0x1  }
0x50: {  	v53 =	vor.u32 s22, v2  }
0x51: {  	v32 =	vadd.f32 v34, v32  }
0x52: {  	v54 =	vor.u32 s23, v3  }
0x53: {  	v32 =	vadd.f32 v33, v32  }
0x54: {  	v55 =	vor.u32 s11, v3  }
0x55: {  	[tilespmem:v53+s0+$0x0] =	vst.idx.msk $0xffff, v32  }
0x56: {  	v32 =	vld.idx.msk [tilespmem:v6+s19+$0x0], $0xffff  }
0x57: {  	v34 =	vld.idx.msk [tilespmem:v54+s20+$0x0], $0xffff;
	_ =	sdelay $0x1  }
0x58: {  	v33 =	vld.idx.msk [tilespmem:v55+s21+$0x0], $0xffff;
	_ =	sdelay $0x1  }
0x59: {  	v56 =	vor.u32 s22, v3  }
0x5a: {  	v32 =	vadd.f32 v34, v32  }
0x5b: {  	v57 =	vor.u32 s23, v4  }
0x5c: {  	v32 =	vadd.f32 v33, v32  }
0x5d: {  	v58 =	vor.u32 s11, v4  }
0x5e: {  	[tilespmem:v56+s0+$0x0] =	vst.idx.msk $0xffff, v32  }
0x5f: {  	v32 =	vld.idx.msk [tilespmem:v7+s19+$0x0], $0xffff  }
0x60: {  	v34 =	vld.idx.msk [tilespmem:v57+s20+$0x0], $0xffff;
	_ =	sdelay $0x1  }
0x61: {  	v33 =	vld.idx.msk [tilespmem:v58+s21+$0x0], $0xffff;
	_ =	sdelay $0x1  }
0x62: {  	v59 =	vor.u32 s22, v4  }
0x63: {  	v32 =	vadd.f32 v34, v32  }
0x64: {  	v60 =	vor.u32 s23, v8  }
0x65: {  	v32 =	vadd.f32 v33, v32  }
0x66: {  	v61 =	vor.u32 s11, v8  }
0x67: {  	[tilespmem:v59+s0+$0x0] =	vst.idx.msk $0xffff, v32  }
0x68: {  	v32 =	vld.idx.msk [tilespmem:v11+s19+$0x0], $0xffff  }
0x69: {  	v34 =	vld.idx.msk [tilespmem:v60+s20+$0x0], $0xffff;
	_ =	sdelay $0x1  }
0x6a: {  	v33 =	vld.idx.msk [tilespmem:v61+s21+$0x0], $0xffff;
	_ =	sdelay $0x1  }
0x6b: {  	v62 =	vor.u32 s22, v8  }
0x6c: {  	v32 =	vadd.f32 v34, v32  }
0x6d: {  	v63 =	vor.u32 s23, v9  }
0x6e: {  	v32 =	vadd.f32 v33, v32  }
0x6f: {  	v36 =	vor.u32 s11, v9  }
0x70: {  	[tilespmem:v62+s0+$0x0] =	vst.idx.msk $0xffff, v32  }
0x71: {  	v32 =	vld.idx.msk [tilespmem:v12+s19+$0x0], $0xffff  }
0x72: {  	v34 =	vld.idx.msk [tilespmem:v63+s20+$0x0], $0xffff;
	_ =	sdelay $0x1  }
0x73: {  	v33 =	vld.idx.msk [tilespmem:v36+s21+$0x0], $0xffff;
	_ =	sdelay $0x1  }
0x74: {  	v37 =	vor.u32 s22, v9  }
0x75: {  	v32 =	vadd.f32 v34, v32  }
0x76: {  	v38 =	vor.u32 s23, v10  }
0x77: {  	v32 =	vadd.f32 v33, v32  }
0x78: {  	v39 =	vor.u32 s11, v10  }
0x79: {  	[tilespmem:v37+s0+$0x0] =	vst.idx.msk $0xffff, v32  }
0x7a: {  	v32 =	vld.idx.msk [tilespmem:v13+s19+$0x0], $0xffff  }
0x7b: {  	v34 =	vld.idx.msk [tilespmem:v38+s20+$0x0], $0xffff;
	_ =	sdelay $0x1  }
0x7c: {  	v33 =	vld.idx.msk [tilespmem:v39+s21+$0x0], $0xffff;
	_ =	sdelay $0x1  }
0x7d: {  	v40 =	vor.u32 s22, v10  }
0x7e: {  	v32 =	vadd.f32 v34, v32  }
0x7f: {  	v41 =	vor.u32 s23, v14  }
0x80: {  	v32 =	vadd.f32 v33, v32  }
0x81: {  	v42 =	vor.u32 s11, v14  }
0x82: {  	[tilespmem:v40+s0+$0x0] =	vst.idx.msk $0xffff, v32  }
0x83: {  	v32 =	vld.idx.msk [tilespmem:v17+s19+$0x0], $0xffff  }
0x84: {  	v34 =	vld.idx.msk [tilespmem:v41+s20+$0x0], $0xffff;
	_ =	sdelay $0x1  }
0x85: {  	v33 =	vld.idx.msk [tilespmem:v42+s21+$0x0], $0xffff;
	_ =	sdelay $0x1  }
0x86: {  	v43 =	vor.u32 s22, v14  }
0x87: {  	v32 =	vadd.f32 v34, v32  }
0x88: {  	v44 =	vor.u32 s23, v15  }
0x89: {  	v32 =	vadd.f32 v33, v32  }
0x8a: {  	v45 =	vor.u32 s11, v15  }
0x8b: {  	[tilespmem:v43+s0+$0x0] =	vst.idx.msk $0xffff, v32  }
0x8c: {  	v32 =	vld.idx.msk [tilespmem:v18+s19+$0x0], $0xffff  }
0x8d: {  	v34 =	vld.idx.msk [tilespmem:v44+s20+$0x0], $0xffff;
	_ =	sdelay $0x1  }
0x8e: {  	v33 =	vld.idx.msk [tilespmem:v45+s21+$0x0], $0xffff;
	_ =	sdelay $0x1  }
0x8f: {  	v46 =	vor.u32 s22, v15  }
0x90: {  	v32 =	vadd.f32 v34, v32  }
0x91: {  	v47 =	vor.u32 s23, v16  }
0x92: {  	v32 =	vadd.f32 v33, v32  }
0x93: {  	v48 =	vor.u32 s11, v16  }
0x94: {  	[tilespmem:v46+s0+$0x0] =	vst.idx.msk $0xffff, v32  }
0x95: {  	v32 =	vld.idx.msk [tilespmem:v19+s19+$0x0], $0xffff  }
0x96: {  	v34 =	vld.idx.msk [tilespmem:v47+s20+$0x0], $0xffff;
	_ =	sdelay $0x1  }
0x97: {  	v33 =	vld.idx.msk [tilespmem:v48+s21+$0x0], $0xffff;
	_ =	sdelay $0x1  }
0x98: {  	v49 =	vor.u32 s22, v16  }
0x99: {  	v32 =	vadd.f32 v34, v32  }
0x9a: {  	v50 =	vor.u32 s23, v20  }
0x9b: {  	v32 =	vadd.f32 v33, v32  }
0x9c: {  	v51 =	vor.u32 s11, v20  }
0x9d: {  	[tilespmem:v49+s0+$0x0] =	vst.idx.msk $0xffff, v32  }
0x9e: {  	v32 =	vld.idx.msk [tilespmem:v23+s19+$0x0], $0xffff  }
0x9f: {  	v34 =	vld.idx.msk [tilespmem:v50+s20+$0x0], $0xffff;
	_ =	sdelay $0x1  }
0xa0: {  	v33 =	vld.idx.msk [tilespmem:v51+s21+$0x0], $0xffff;
	_ =	sdelay $0x1  }
0xa1: {  	v52 =	vor.u32 s22, v20  }
0xa2: {  	v32 =	vadd.f32 v34, v32  }
0xa3: {  	v53 =	vor.u32 s23, v21  }
0xa4: {  	v32 =	vadd.f32 v33, v32  }
0xa5: {  	v54 =	vor.u32 s11, v21  }
0xa6: {  	[tilespmem:v52+s0+$0x0] =	vst.idx.msk $0xffff, v32  }
0xa7: {  	v32 =	vld.idx.msk [tilespmem:v24+s19+$0x0], $0xffff  }
0xa8: {  	v34 =	vld.idx.msk [tilespmem:v53+s20+$0x0], $0xffff;
	_ =	sdelay $0x1  }
0xa9: {  	v33 =	vld.idx.msk [tilespmem:v54+s21+$0x0], $0xffff;
	_ =	sdelay $0x1  }
0xaa: {  	v55 =	vor.u32 s22, v21  }
0xab: {  	v32 =	vadd.f32 v34, v32  }
0xac: {  	v56 =	vor.u32 s23, v22  }
0xad: {  	v32 =	vadd.f32 v33, v32  }
0xae: {  	v57 =	vor.u32 s11, v22  }
0xaf: {  	[tilespmem:v55+s0+$0x0] =	vst.idx.msk $0xffff, v32  }
0xb0: {  	v32 =	vld.idx.msk [tilespmem:v25+s19+$0x0], $0xffff  }
0xb1: {  	v34 =	vld.idx.msk [tilespmem:v56+s20+$0x0], $0xffff;
	_ =	sdelay $0x1  }
0xb2: {  	v33 =	vld.idx.msk [tilespmem:v57+s21+$0x0], $0xffff;
	_ =	sdelay $0x1  }
0xb3: {  	v58 =	vor.u32 s22, v22  }
0xb4: {  	v32 =	vadd.f32 v34, v32  }
0xb5: {  	v59 =	vor.u32 s23, v26  }
0xb6: {  	v32 =	vadd.f32 v33, v32  }
0xb7: {  	v60 =	vor.u32 s11, v26  }
0xb8: {  	[tilespmem:v58+s0+$0x0] =	vst.idx.msk $0xffff, v32  }
0xb9: {  	v32 =	vld.idx.msk [tilespmem:v29+s19+$0x0], $0xffff  }
0xba: {  	v34 =	vld.idx.msk [tilespmem:v59+s20+$0x0], $0xffff;
	_ =	sdelay $0x1  }
0xbb: {  	v33 =	vld.idx.msk [tilespmem:v60+s21+$0x0], $0xffff;
	_ =	sdelay $0x1  }
0xbc: {  	v61 =	vor.u32 s22, v26  }
0xbd: {  	v32 =	vadd.f32 v34, v32  }
0xbe: {  	v62 =	vor.u32 s23, v27  }
0xbf: {  	v63 =	vor.u32 s11, v27;
	v32 =	vadd.f32 v33, v32;
	_ =	sdelay $0x1  }
0xc0: {  	[tilespmem:v61+s0+$0x0] =	vst.idx.msk $0xffff, v32  }
0xc1: {  	v32 =	vld.idx.msk [tilespmem:v30+s19+$0x0], $0xffff  }
0xc2: {  	v34 =	vld.idx.msk [tilespmem:v62+s20+$0x0], $0xffff  }
0xc3: {  	s5 =	simm.s32 $0x1;
	v33 =	vld.idx.msk [tilespmem:v63+s21+$0x0], $0xffff  }
.LBB2_3:
0xc4: {  	p2 =	sne.s32 s5, $0x3  }
0xc5: {  	p1 =	por !p1, !p1;
	s6 =	smov.u32 s5;
	s5 =	sadd.s32 $0x1, s5  }
0xc6: {  	v35 =	vor.u32 s22, v27  }
0xc7: {  	v32 =	vadd.f32 v34, v32  }
0xc8: {  	v34 =	vor.u32 s23, v28  }
0xc9: {  	v32 =	vadd.f32 v33, v32;
	v33 =	vor.u32 s11, v28  }
0xca: {  	s8 =	simm.s32 $0x1;
	s23 =	sand.u32 $0x1, s6;
	s11 =	sadd.s32 s6, s15  }
0xcb: {  	p4 =	seq.s32 s23, $0x1;
	s7 =	sshrl.u32 s11, $0x1F;
	p3 =	slt.s32 s11, $0x1;
	[tilespmem:v35+s0+$0x0] =	vst.idx.msk $0xffff, v32  }
0xcc: {  	s7 =	sadd.s32 s7, s11;
	p4 =	por !p3, !p4;
	p3 =	por !p3, !p1;
	v32 =	vld.idx.msk [tilespmem:v31+s19+$0x0], $0xffff  }
0xcd: {  	s23 =	simm.s32 $0x1;
	p4 =	por !p4, !p4;
	p3 =	por !p3, !p3;
	v34 =	vld.idx.msk [tilespmem:v34+s20+$0x0], $0xffff  }
0xce: {  	s7 =	sshra.s32 s7, $0x1;
	s23 =	simm.s32 @!p4 $0x0;
	s8 =	simm.s32 @!p3 $0x0;
	v33 =	vld.idx.msk [tilespmem:v33+s21+$0x0], $0xffff  }
0xcf: {  	v35 =	vor.u32 s22, v28;
	s23 =	ssub.s32 s7, s23;
	s7 =	ssub.s32 s7, s8  }
0xd0: {  	s7 =	sshll.u32 s7, $0x1;
	s23 =	sshll.u32 s23, $0x8  }
0xd1: {  	s7 =	ssub.s32 s11, s7;
	v36 =	vor.u32 s23, v0  }
0xd2: {  	s11 =	sshll.u32 s7, $0x8  }
0xd3: {  	v37 =	vor.u32 s11, v0;
	v32 =	vadd.f32 v34, v32;
	_ =	sdelay $0x1  }
0xd4: {  	v32 =	vadd.f32 v33, v32;
	_ =	sdelay $0x1  }
0xd5: {  	[tilespmem:v35+s0+$0x0] =	vst.idx.msk $0xffff, v32  }
0xd6: {  	v32 =	vld.idx.msk [tilespmem:v36+s20+$0x0], $0xffff  }
0xd7: {  	v33 =	vld.idx.msk [tilespmem:v1+s19+$0x0], $0xffff  }
0xd8: {  	v34 =	vld.idx.msk [tilespmem:v37+s21+$0x0], $0xffff;
	_ =	sdelay $0x1  }
0xd9: {  	s6 =	sadd.s32 s6, s10;
	v35 =	vor.u32 s23, v2  }
0xda: {  	s22 =	sshll.u32 s6, $0x8  }
0xdb: {  	v36 =	vor.u32 s22, v0  }
0xdc: {  	v32 =	vadd.f32 v32, v33;
	v33 =	vor.u32 s11, v2;
	_ =	sdelay $0x1  }
0xdd: {  	v32 =	vadd.f32 v34, v32;
	_ =	sdelay $0x1  }
0xde: {  	[tilespmem:v36+s0+$0x0] =	vst.idx.msk $0xffff, v32  }
0xdf: {  	v32 =	vld.idx.msk [tilespmem:v5+s19+$0x0], $0xffff  }
0xe0: {  	v34 =	vld.idx.msk [tilespmem:v35+s20+$0x0], $0xffff;
	_ =	sdelay $0x1  }
0xe1: {  	v33 =	vld.idx.msk [tilespmem:v33+s21+$0x0], $0xffff;
	_ =	sdelay $0x2  }
0xe2: {  	v35 =	vor.u32 s22, v2  }
0xe3: {  	v32 =	vadd.f32 v34, v32  }
0xe4: {  	v34 =	vor.u32 s23, v3  }
0xe5: {  	v32 =	vadd.f32 v33, v32  }
0xe6: {  	v33 =	vor.u32 s11, v3  }
0xe7: {  	[tilespmem:v35+s0+$0x0] =	vst.idx.msk $0xffff, v32  }
0xe8: {  	v32 =	vld.idx.msk [tilespmem:v6+s19+$0x0], $0xffff  }
0xe9: {  	v34 =	vld.idx.msk [tilespmem:v34+s20+$0x0], $0xffff;
	_ =	sdelay $0x1  }
0xea: {  	v33 =	vld.idx.msk [tilespmem:v33+s21+$0x0], $0xffff;
	_ =	sdelay $0x2  }
0xeb: {  	v35 =	vor.u32 s22, v3  }
0xec: {  	v32 =	vadd.f32 v34, v32  }
0xed: {  	v34 =	vor.u32 s23, v4  }
0xee: {  	v32 =	vadd.f32 v33, v32  }
0xef: {  	v33 =	vor.u32 s11, v4  }
0xf0: {  	[tilespmem:v35+s0+$0x0] =	vst.idx.msk $0xffff, v32  }
0xf1: {  	v32 =	vld.idx.msk [tilespmem:v7+s19+$0x0], $0xffff  }
0xf2: {  	v34 =	vld.idx.msk [tilespmem:v34+s20+$0x0], $0xffff;
	_ =	sdelay $0x1  }
0xf3: {  	v33 =	vld.idx.msk [tilespmem:v33+s21+$0x0], $0xffff;
	_ =	sdelay $0x2  }
0xf4: {  	v35 =	vor.u32 s22, v4  }
0xf5: {  	v32 =	vadd.f32 v34, v32  }
0xf6: {  	v34 =	vor.u32 s23, v8  }
0xf7: {  	v32 =	vadd.f32 v33, v32  }
0xf8: {  	v33 =	vor.u32 s11, v8  }
0xf9: {  	[tilespmem:v35+s0+$0x0] =	vst.idx.msk $0xffff, v32  }
0xfa: {  	v32 =	vld.idx.msk [tilespmem:v11+s19+$0x0], $0xffff  }
0xfb: {  	v34 =	vld.idx.msk [tilespmem:v34+s20+$0x0], $0xffff;
	_ =	sdelay $0x1  }
0xfc: {  	v33 =	vld.idx.msk [tilespmem:v33+s21+$0x0], $0xffff;
	_ =	sdelay $0x2  }
0xfd: {  	v35 =	vor.u32 s22, v8  }
0xfe: {  	v32 =	vadd.f32 v34, v32  }
0xff: {  	v34 =	vor.u32 s23, v9  }
0x100: {  	v32 =	vadd.f32 v33, v32  }
0x101: {  	v33 =	vor.u32 s11, v9  }
0x102: {  	[tilespmem:v35+s0+$0x0] =	vst.idx.msk $0xffff, v32  }
0x103: {  	v32 =	vld.idx.msk [tilespmem:v12+s19+$0x0], $0xffff  }
0x104: {  	v34 =	vld.idx.msk [tilespmem:v34+s20+$0x0], $0xffff;
	_ =	sdelay $0x1  }
0x105: {  	v33 =	vld.idx.msk [tilespmem:v33+s21+$0x0], $0xffff;
	_ =	sdelay $0x2  }
0x106: {  	v35 =	vor.u32 s22, v9  }
0x107: {  	v32 =	vadd.f32 v34, v32  }
0x108: {  	v34 =	vor.u32 s23, v10  }
0x109: {  	v32 =	vadd.f32 v33, v32;
	v33 =	vor.u32 s11, v10;
	_ =	sdelay $0x1  }
0x10a: {  	[tilespmem:v35+s0+$0x0] =	vst.idx.msk $0xffff, v32  }
0x10b: {  	v32 =	vld.idx.msk [tilespmem:v13+s19+$0x0], $0xffff  }
0x10c: {  	v34 =	vld.idx.msk [tilespmem:v34+s20+$0x0], $0xffff  }
0x10d: {  	v33 =	vld.idx.msk [tilespmem:v33+s21+$0x0], $0xffff;
	_ =	sdelay $0x3  }
0x10e: {  	v35 =	vor.u32 s22, v10  }
0x10f: {  	v32 =	vadd.f32 v34, v32  }
0x110: {  	v34 =	vor.u32 s23, v14  }
0x111: {  	v32 =	vadd.f32 v33, v32;
	v33 =	vor.u32 s11, v14;
	_ =	sdelay $0x1  }
0x112: {  	[tilespmem:v35+s0+$0x0] =	vst.idx.msk $0xffff, v32  }
0x113: {  	v32 =	vld.idx.msk [tilespmem:v17+s19+$0x0], $0xffff  }
0x114: {  	v34 =	vld.idx.msk [tilespmem:v34+s20+$0x0], $0xffff  }
0x115: {  	v33 =	vld.idx.msk [tilespmem:v33+s21+$0x0], $0xffff;
	_ =	sdelay $0x3  }
0x116: {  	v35 =	vor.u32 s22, v14  }
0x117: {  	v32 =	vadd.f32 v34, v32  }
0x118: {  	v34 =	vor.u32 s23, v15  }
0x119: {  	v32 =	vadd.f32 v33, v32  }
0x11a: {  	v33 =	vor.u32 s11, v15  }
0x11b: {  	[tilespmem:v35+s0+$0x0] =	vst.idx.msk $0xffff, v32  }
0x11c: {  	v32 =	vld.idx.msk [tilespmem:v18+s19+$0x0], $0xffff  }
0x11d: {  	v34 =	vld.idx.msk [tilespmem:v34+s20+$0x0], $0xffff;
	_ =	sdelay $0x1  }
0x11e: {  	v33 =	vld.idx.msk [tilespmem:v33+s21+$0x0], $0xffff;
	_ =	sdelay $0x2  }
0x11f: {  	v35 =	vor.u32 s22, v15  }
0x120: {  	v32 =	vadd.f32 v34, v32  }
0x121: {  	v34 =	vor.u32 s23, v16  }
0x122: {  	v32 =	vadd.f32 v33, v32;
	v33 =	vor.u32 s11, v16;
	_ =	sdelay $0x1  }
0x123: {  	[tilespmem:v35+s0+$0x0] =	vst.idx.msk $0xffff, v32  }
0x124: {  	v32 =	vld.idx.msk [tilespmem:v19+s19+$0x0], $0xffff  }
0x125: {  	v34 =	vld.idx.msk [tilespmem:v34+s20+$0x0], $0xffff  }
0x126: {  	v33 =	vld.idx.msk [tilespmem:v33+s21+$0x0], $0xffff;
	_ =	sdelay $0x3  }
0x127: {  	v35 =	vor.u32 s22, v16  }
0x128: {  	v32 =	vadd.f32 v34, v32  }
0x129: {  	v34 =	vor.u32 s23, v20  }
0x12a: {  	v32 =	vadd.f32 v33, v32;
	v33 =	vor.u32 s11, v20;
	_ =	sdelay $0x1  }
0x12b: {  	[tilespmem:v35+s0+$0x0] =	vst.idx.msk $0xffff, v32  }
0x12c: {  	v32 =	vld.idx.msk [tilespmem:v23+s19+$0x0], $0xffff  }
0x12d: {  	v34 =	vld.idx.msk [tilespmem:v34+s20+$0x0], $0xffff  }
0x12e: {  	v33 =	vld.idx.msk [tilespmem:v33+s21+$0x0], $0xffff;
	_ =	sdelay $0x3  }
0x12f: {  	v35 =	vor.u32 s22, v20  }
0x130: {  	v32 =	vadd.f32 v34, v32  }
0x131: {  	v34 =	vor.u32 s23, v21  }
0x132: {  	v32 =	vadd.f32 v33, v32;
	v33 =	vor.u32 s11, v21;
	_ =	sdelay $0x1  }
0x133: {  	[tilespmem:v35+s0+$0x0] =	vst.idx.msk $0xffff, v32  }
0x134: {  	v32 =	vld.idx.msk [tilespmem:v24+s19+$0x0], $0xffff  }
0x135: {  	v34 =	vld.idx.msk [tilespmem:v34+s20+$0x0], $0xffff  }
0x136: {  	v33 =	vld.idx.msk [tilespmem:v33+s21+$0x0], $0xffff;
	_ =	sdelay $0x3  }
0x137: {  	v35 =	vor.u32 s22, v21  }
0x138: {  	v32 =	vadd.f32 v34, v32  }
0x139: {  	v34 =	vor.u32 s23, v22  }
0x13a: {  	v32 =	vadd.f32 v33, v32;
	v33 =	vor.u32 s11, v22;
	_ =	sdelay $0x1  }
0x13b: {  	[tilespmem:v35+s0+$0x0] =	vst.idx.msk $0xffff, v32  }
0x13c: {  	v32 =	vld.idx.msk [tilespmem:v25+s19+$0x0], $0xffff  }
0x13d: {  	v34 =	vld.idx.msk [tilespmem:v34+s20+$0x0], $0xffff  }
0x13e: {  	v33 =	vld.idx.msk [tilespmem:v33+s21+$0x0], $0xffff;
	_ =	sdelay $0x3  }
0x13f: {  	v35 =	vor.u32 s22, v22  }
0x140: {  	v32 =	vadd.f32 v34, v32  }
0x141: {  	v34 =	vor.u32 s23, v26  }
0x142: {  	v32 =	vadd.f32 v33, v32;
	v33 =	vor.u32 s11, v26;
	_ =	sdelay $0x1  }
0x143: {  	[tilespmem:v35+s0+$0x0] =	vst.idx.msk $0xffff, v32  }
0x144: {  	v32 =	vld.idx.msk [tilespmem:v29+s19+$0x0], $0xffff  }
0x145: {  	v34 =	vld.idx.msk [tilespmem:v34+s20+$0x0], $0xffff  }
0x146: {  	v33 =	vld.idx.msk [tilespmem:v33+s21+$0x0], $0xffff;
	_ =	sdelay $0x3  }
0x147: {  	v35 =	vor.u32 s22, v26  }
0x148: {  	v32 =	vadd.f32 v34, v32  }
0x149: {  	v34 =	vor.u32 s23, v27  }
0x14a: {  	v32 =	vadd.f32 v33, v32;
	v33 =	vor.u32 s11, v27  }
.Ltmp3:
0x14b: {  	(pc) =	sbr.rel @p2 .LBB2_3-.Ltmp3, $4  }
0x14c: {  	[tilespmem:v35+s0+$0x0] =	vst.idx.msk $0xffff, v32  }
0x14d: {  	v32 =	vld.idx.msk [tilespmem:v30+s19+$0x0], $0xffff  }
0x14e: {  	v34 =	vld.idx.msk [tilespmem:v34+s20+$0x0], $0xffff  }
0x14f: {  	v33 =	vld.idx.msk [tilespmem:v33+s21+$0x0], $0xffff  }
0x150: {  	_ =	sdelay $0x1  }
0x151: {  	v35 =	vor.u32 s22, v27  }
0x152: {  	v32 =	vadd.f32 v34, v32  }
0x153: {  	v61 =	vor.u32 s23, v28  }
0x154: {  	v32 =	vadd.f32 v33, v32  }
0x155: {  	v62 =	vor.u32 s11, v28  }
0x156: {  	[tilespmem:v35+s0+$0x0] =	vst.idx.msk $0xffff, v32  }
0x157: {  	v32 =	vld.idx.msk [tilespmem:v31+s19+$0x0], $0xffff  }
0x158: {  	v34 =	vld.idx.msk [tilespmem:v61+s20+$0x0], $0xffff;
	_ =	sdelay $0x1  }
0x159: {  	v33 =	vld.idx.msk [tilespmem:v62+s21+$0x0], $0xffff;
	_ =	sdelay $0x1  }
0x15a: {  	v63 =	vor.u32 s22, v28  }
0x15b: {  	v32 =	vadd.f32 v34, v32;
	_ =	sdelay $0x1  }
0x15c: {  	v32 =	vadd.f32 v33, v32  }
0x15d: {  	s5 =	rddreg [dreg:$0xa]  }
0x15e: {  	s6 =	rddreg [dreg:$0xb];
	s23 =	simm.s32 $0x5;
	[tilespmem:v63+s0+$0x0] =	vst.idx.msk $0xffff, v32  }
0x15f: {  	[spmem:s5] =	stream.linear.scatter [tilespmem:s6], [sflag:$0x5], $0x400, $0x38;
	[tilespmem:$0x189C0] =	vst v63  }
0x160: {  	_ =	swait.ge [sflag:s23], $0x400  }
0x161: {  	s8 =	smov.u32 s9;
	s9 =	smov.u32 s14;
	[sflag:s23] =	ssyncset.done $0x0  }
0x162: {  	s14 =	smov.u32 s18;
	s18 =	rddreg [dreg:$0xc];
	[sflag:s23] =	ssyncadd.s32 $0xFFFFFC00  }
.LBB2_5:
0x163: {  	[bflag:$0x0] =	sbarrier.arrive $0xFFFF  }
0x164: {  	_ =	swait.ge [sflag:s25], $0x1400  }
0x165: {  	[sflag:s25] =	ssyncset.done $0x0  }
0x166: {  	[sflag:s25] =	ssyncadd.s32 $0xFFFFEC00  }
0x167: {  	_ =	swait.ge [sflag:s25], $0x1400  }
0x168: {  	[sflag:s25] =	ssyncset.done $0x0  }
0x169: {  	[sflag:s25] =	ssyncadd.s32 $0xFFFFEC00  }
0x16a: {  	_ =	swait.ge [sflag:s25], $0x1400  }
0x16b: {  	[sflag:s25] =	ssyncset.done $0x0  }
0x16c: {  	[sflag:s25] =	ssyncadd.s32 $0xFFFFEC00  }
0x16d: {  	v32 =	vld [tilespmem:$0x0]  }
0x16e: {  	v33 =	vld [tilespmem:$0x1400]  }
0x16f: {  	v34 =	vld [tilespmem:$0x2800]  }
0x170: {  	v35 =	vld [tilespmem:$0x10]  }
0x171: {  	v36 =	vld [tilespmem:$0x1410]  }
0x172: {  	v37 =	vld [tilespmem:$0x2810]  }
0x173: {  	v38 =	vld [tilespmem:$0x20]  }
0x174: {  	v39 =	vld [tilespmem:$0x1420]  }
0x175: {  	v40 =	vld [tilespmem:$0x2820]  }
0x176: {  	v41 =	vld [tilespmem:$0x30]  }
0x177: {  	v42 =	vld [tilespmem:$0x1430]  }
0x178: {  	v43 =	vld [tilespmem:$0x2830]  }
0x179: {  	v44 =	vld [tilespmem:$0x40]  }
0x17a: {  	v45 =	vld [tilespmem:$0x1440]  }
0x17b: {  	v46 =	vld [tilespmem:$0x2840]  }
0x17c: {  	v47 =	vld [tilespmem:$0x50]  }
0x17d: {  	v48 =	vld [tilespmem:$0x1450]  }
0x17e: {  	v49 =	vld [tilespmem:$0x2850];
	v32 =	vmul.u32 $0xC, v32;
	v33 =	vshll.u32 v33, $0x1  }
0x17f: {  	v58 =	vld [tilespmem:$0x70];
	v35 =	vmul.u32 $0xC, v35;
	v54 =	vshll.u32 v36, $0x1;
	v55 =	vmul.u32 $0xC, v38  }
0x180: {  	v61 =	vld [tilespmem:$0x1470];
	v56 =	vshll.u32 v39, $0x1;
	v57 =	vmul.u32 $0xC, v41;
	v59 =	vshll.u32 v42, $0x1  }
0x181: {  	v36 =	vld [tilespmem:$0x60];
	v60 =	vmul.u32 $0xC, v44;
	v51 =	vmul.u32 $0xC, v47;
	v32 =	vadd.s32 v32, v33  }
0x182: {  	v33 =	vadd.s32 v35, v54;
	v35 =	vld [tilespmem:$0x1460];
	v63 =	vadd.s32 v57, v59;
	v32 =	vadd.s32 v34, v32  }
0x183: {  	v52 =	vld [tilespmem:$0x2870];
	v54 =	vshll.u32 v48, $0x1;
	v33 =	vadd.s32 v37, v33;
	v34 =	vadd.s32 v55, v56;
	[tilespmem:$0x3C00] =	vst v32  }
0x184: {  	v44 =	vld [tilespmem:$0x2860];
	v57 =	vmul.u32 $0xC, v58;
	v55 =	vadd.s32 v51, v54;
	v62 =	vadd.s32 v40, v34;
	[tilespmem:$0x3C10] =	vst v33  }
0x185: {  	v40 =	vshll.u32 v45, $0x1;
	v45 =	vadd.s32 v43, v63;
	v58 =	vadd.s32 v49, v55;
	[tilespmem:$0x3C20] =	vst v62  }
0x186: {  	v50 =	vadd.s32 v60, v40;
	v36 =	vmul.u32 $0xC, v36;
	[tilespmem:$0x3C30] =	vst v45;
	v60 =	vshll.u32 v61, $0x1  }
.Ltmp4:
0x187: {  	[tilespmem:$0x3C50] =	vst v58;
	v53 =	vadd.s32 v46, v50;
	v62 =	vadd.s32 v57, v60;
	v56 =	vshll.u32 v35, $0x1;
	(pc) =	sbr.rel .LBB2_6-.Ltmp4, $4  }
0x188: {  	[tilespmem:$0x3C40] =	vst v53;
	v63 =	vadd.s32 v52, v62;
	v59 =	vadd.s32 v36, v56  }
0x189: {  	s5 =	simm.s32 $0x0;
	[tilespmem:$0x3C70] =	vst v63;
	v61 =	vadd.s32 v44, v59  }
0x18a: {  	s11 =	smov.u32 s18;
	s22 =	smov.u32 s14;
	s23 =	simm.s32 $0x0;
	[tilespmem:$0x3C60] =	vst v61  }
0x18b: {  	[tilespmem:s29], [sflag:$0x1] =	stream.indirect.gather [spmem:s3], $0x100, s28, s26, $0xb8;
	[tilespmem:$0x189C0] =	vst v63  }
.LBB2_10:
0x18c: {  	s23 =	sadd.s32 $0x400, s23  }
0x18d: {  	p1 =	sne.s32 s17, s23  }
.Ltmp5:
0x18e: {  	_ =	swait.ge [sflag:s25], $0x8000;
	(pc) =	sbr.rel @!p1 .LBB2_11-.Ltmp5, $4  }
0x18f: {  	[sflag:s25] =	ssyncset.done $0x0  }
0x190: {  	[sflag:s25] =	ssyncadd.s32 $0xFFFF8000  }
0x191: {  	[hbm4b:s22+s4] =	stream.linear.scatter [tilespmem:s31], [sflag:$0x4], $0x8000, $0x38;
	[tilespmem:$0x189C0] =	vst v63  }
0x192: {  	s5 =	sadd.s32 $0x2, s5;
	s11 =	sadd.s32 $0x2000, s11;
	s22 =	sadd.s32 $0x2000, s22  }
.LBB2_6:
0x193: {  	p2 =	sge.u32 s5, s13  }
.Ltmp6:
0x194: {  	p1 =	seq.s32 s23, $0x0;
	(pc) =	sbr.rel @p2 .LBB2_8-.Ltmp6, $4  }
0x195: {  	s6 =	simm.s32 @!p1 $0x4  }
0x196: {  	_ =	swait.ge @!p1 [sflag:s6], $0x8000  }
0x197: {  	[sflag:s6] =	ssyncset.done @!p1 $0x0  }
0x198: {  	[sflag:s6] =	ssyncadd.s32 @!p1 $0xFFFF8000;
	s6 =	sshra.s32 s23, $0x2  }
0x199: {  	v32 =	vld [tilespmem:s6+$0x80]  }
0x19a: {  	v33 =	vld [tilespmem:s6+$0x1480];
	_ =	sdelay $0x1  }
0x19b: {  	v34 =	vld [tilespmem:s6+$0x2880];
	_ =	sdelay $0x1  }
0x19c: {  	v32 =	vmul.u32 $0xC, v32  }
0x19d: {  	v33 =	vshll.u32 v33, $0x1  }
0x19e: {  	v32 =	vadd.s32 v32, v33  }
0x19f: {  	v32 =	vadd.s32 v34, v32  }
0x1a0: {  	[tilespmem:$0x3C80] =	vst v32  }
0x1a1: {  	v32 =	vld [tilespmem:s6+$0x90]  }
0x1a2: {  	v50 =	vld [tilespmem:s6+$0x1490];
	_ =	sdelay $0x1  }
0x1a3: {  	v51 =	vld [tilespmem:s6+$0x2890];
	_ =	sdelay $0x1  }
0x1a4: {  	v32 =	vmul.u32 $0xC, v32  }
0x1a5: {  	v33 =	vshll.u32 v50, $0x1  }
0x1a6: {  	v32 =	vadd.s32 v32, v33  }
0x1a7: {  	v32 =	vadd.s32 v51, v32  }
0x1a8: {  	[tilespmem:$0x3C90] =	vst v32  }
0x1a9: {  	v32 =	vld [tilespmem:s6+$0xA0]  }
0x1aa: {  	v52 =	vld [tilespmem:s6+$0x14A0];
	_ =	sdelay $0x1  }
0x1ab: {  	v53 =	vld [tilespmem:s6+$0x28A0];
	_ =	sdelay $0x1  }
0x1ac: {  	v32 =	vmul.u32 $0xC, v32  }
0x1ad: {  	v33 =	vshll.u32 v52, $0x1  }
0x1ae: {  	v32 =	vadd.s32 v32, v33  }
0x1af: {  	v32 =	vadd.s32 v53, v32  }
0x1b0: {  	[tilespmem:$0x3CA0] =	vst v32  }
0x1b1: {  	v32 =	vld [tilespmem:s6+$0xB0]  }
0x1b2: {  	v54 =	vld [tilespmem:s6+$0x14B0];
	_ =	sdelay $0x1  }
0x1b3: {  	v55 =	vld [tilespmem:s6+$0x28B0];
	_ =	sdelay $0x1  }
0x1b4: {  	v32 =	vmul.u32 $0xC, v32  }
0x1b5: {  	v33 =	vshll.u32 v54, $0x1  }
0x1b6: {  	v32 =	vadd.s32 v32, v33  }
0x1b7: {  	v32 =	vadd.s32 v55, v32  }
0x1b8: {  	[tilespmem:$0x3CB0] =	vst v32  }
0x1b9: {  	v32 =	vld [tilespmem:s6+$0xC0]  }
0x1ba: {  	v56 =	vld [tilespmem:s6+$0x14C0];
	_ =	sdelay $0x1  }
0x1bb: {  	v57 =	vld [tilespmem:s6+$0x28C0];
	_ =	sdelay $0x1  }
0x1bc: {  	v32 =	vmul.u32 $0xC, v32  }
0x1bd: {  	v33 =	vshll.u32 v56, $0x1  }
0x1be: {  	v32 =	vadd.s32 v32, v33  }
0x1bf: {  	v32 =	vadd.s32 v57, v32  }
0x1c0: {  	[tilespmem:$0x3CC0] =	vst v32  }
0x1c1: {  	v32 =	vld [tilespmem:s6+$0xD0]  }
0x1c2: {  	v58 =	vld [tilespmem:s6+$0x14D0];
	_ =	sdelay $0x1  }
0x1c3: {  	v59 =	vld [tilespmem:s6+$0x28D0];
	_ =	sdelay $0x1  }
0x1c4: {  	v32 =	vmul.u32 $0xC, v32  }
0x1c5: {  	v33 =	vshll.u32 v58, $0x1  }
0x1c6: {  	v32 =	vadd.s32 v32, v33  }
0x1c7: {  	v32 =	vadd.s32 v59, v32  }
0x1c8: {  	[tilespmem:$0x3CD0] =	vst v32  }
0x1c9: {  	v32 =	vld [tilespmem:s6+$0xE0]  }
0x1ca: {  	v60 =	vld [tilespmem:s6+$0x14E0];
	_ =	sdelay $0x1  }
0x1cb: {  	v61 =	vld [tilespmem:s6+$0x28E0];
	_ =	sdelay $0x1  }
0x1cc: {  	v32 =	vmul.u32 $0xC, v32  }
0x1cd: {  	v33 =	vshll.u32 v60, $0x1  }
0x1ce: {  	v32 =	vadd.s32 v32, v33  }
0x1cf: {  	v32 =	vadd.s32 v61, v32  }
0x1d0: {  	[tilespmem:$0x3CE0] =	vst v32  }
0x1d1: {  	v32 =	vld [tilespmem:s6+$0xF0]  }
0x1d2: {  	v62 =	vld [tilespmem:s6+$0x14F0];
	_ =	sdelay $0x1  }
0x1d3: {  	v63 =	vld [tilespmem:s6+$0x28F0];
	_ =	sdelay $0x1  }
0x1d4: {  	v32 =	vmul.u32 $0xC, v32  }
0x1d5: {  	v33 =	vshll.u32 v62, $0x1  }
0x1d6: {  	v32 =	vadd.s32 v32, v33  }
0x1d7: {  	v32 =	vadd.s32 v63, v32  }
0x1d8: {  	[tilespmem:$0x3CF0] =	vst v32  }
0x1d9: {  	[tilespmem:s31], [sflag:$0x2] =	stream.indirect.gather [spmem:s3], $0x100, s30, s26, $0xb8;
	[tilespmem:$0x189C0] =	vst v63  }
.LBB2_8:
0x1da: {  	_ =	swait.ge [sflag:s24], $0x8000;
	s7 =	sadd.s32 $0x1, s5  }
0x1db: {  	[sflag:s24] =	ssyncset.done $0x0;
	p1 =	sge.u32 s7, s13  }
.Ltmp7:
0x1dc: {  	[sflag:s24] =	ssyncadd.s32 $0xFFFF8000;
	(pc) =	sbr.rel @p1 .LBB2_10-.Ltmp7, $4  }
0x1dd: {  	[hbm4b:s11+s4] =	stream.linear.scatter [tilespmem:s29], [sflag:$0x3], $0x8000, $0x38;
	[tilespmem:$0x189C0] =	vst v63  }
0x1de: {  	_ =	swait.ge [sflag:s1], $0x8000  }
0x1df: {  	[sflag:s1] =	ssyncset.done $0x0  }
0x1e0: {  	[sflag:s1] =	ssyncadd.s32 $0xFFFF8000  }
0x1e1: {  	v32 =	vld [tilespmem:s6+$0x100]  }
0x1e2: {  	v33 =	vld [tilespmem:s6+$0x1500];
	_ =	sdelay $0x1  }
0x1e3: {  	v34 =	vld [tilespmem:s6+$0x2900];
	_ =	sdelay $0x1  }
0x1e4: {  	v32 =	vmul.u32 $0xC, v32  }
0x1e5: {  	v33 =	vshll.u32 v33, $0x1  }
0x1e6: {  	v32 =	vadd.s32 v32, v33  }
0x1e7: {  	v32 =	vadd.s32 v34, v32  }
0x1e8: {  	[tilespmem:$0x3C00] =	vst v32  }
0x1e9: {  	v32 =	vld [tilespmem:s6+$0x110]  }
0x1ea: {  	v50 =	vld [tilespmem:s6+$0x1510];
	_ =	sdelay $0x1  }
0x1eb: {  	v51 =	vld [tilespmem:s6+$0x2910];
	_ =	sdelay $0x1  }
0x1ec: {  	v32 =	vmul.u32 $0xC, v32  }
0x1ed: {  	v33 =	vshll.u32 v50, $0x1  }
0x1ee: {  	v32 =	vadd.s32 v32, v33  }
0x1ef: {  	v32 =	vadd.s32 v51, v32  }
0x1f0: {  	[tilespmem:$0x3C10] =	vst v32  }
0x1f1: {  	v32 =	vld [tilespmem:s6+$0x120]  }
0x1f2: {  	v52 =	vld [tilespmem:s6+$0x1520];
	_ =	sdelay $0x1  }
0x1f3: {  	v53 =	vld [tilespmem:s6+$0x2920];
	_ =	sdelay $0x1  }
0x1f4: {  	v32 =	vmul.u32 $0xC, v32  }
0x1f5: {  	v33 =	vshll.u32 v52, $0x1  }
0x1f6: {  	v32 =	vadd.s32 v32, v33  }
0x1f7: {  	v32 =	vadd.s32 v53, v32  }
0x1f8: {  	[tilespmem:$0x3C20] =	vst v32  }
0x1f9: {  	v32 =	vld [tilespmem:s6+$0x130]  }
0x1fa: {  	v54 =	vld [tilespmem:s6+$0x1530];
	_ =	sdelay $0x1  }
0x1fb: {  	v55 =	vld [tilespmem:s6+$0x2930];
	_ =	sdelay $0x1  }
0x1fc: {  	v32 =	vmul.u32 $0xC, v32  }
0x1fd: {  	v33 =	vshll.u32 v54, $0x1  }
0x1fe: {  	v32 =	vadd.s32 v32, v33  }
0x1ff: {  	v32 =	vadd.s32 v55, v32  }
0x200: {  	[tilespmem:$0x3C30] =	vst v32  }
0x201: {  	v32 =	vld [tilespmem:s6+$0x140]  }
0x202: {  	v56 =	vld [tilespmem:s6+$0x1540];
	_ =	sdelay $0x1  }
0x203: {  	v57 =	vld [tilespmem:s6+$0x2940];
	_ =	sdelay $0x1  }
0x204: {  	v32 =	vmul.u32 $0xC, v32  }
0x205: {  	v33 =	vshll.u32 v56, $0x1  }
0x206: {  	v32 =	vadd.s32 v32, v33  }
0x207: {  	v32 =	vadd.s32 v57, v32  }
0x208: {  	[tilespmem:$0x3C40] =	vst v32  }
0x209: {  	v32 =	vld [tilespmem:s6+$0x150]  }
0x20a: {  	v58 =	vld [tilespmem:s6+$0x1550];
	_ =	sdelay $0x1  }
0x20b: {  	v59 =	vld [tilespmem:s6+$0x2950];
	_ =	sdelay $0x1  }
0x20c: {  	v32 =	vmul.u32 $0xC, v32  }
0x20d: {  	v33 =	vshll.u32 v58, $0x1  }
0x20e: {  	v32 =	vadd.s32 v32, v33  }
0x20f: {  	v32 =	vadd.s32 v59, v32  }
0x210: {  	[tilespmem:$0x3C50] =	vst v32  }
0x211: {  	v32 =	vld [tilespmem:s6+$0x160]  }
0x212: {  	v60 =	vld [tilespmem:s6+$0x1560];
	_ =	sdelay $0x1  }
0x213: {  	v61 =	vld [tilespmem:s6+$0x2960];
	_ =	sdelay $0x1  }
0x214: {  	v32 =	vmul.u32 $0xC, v32  }
0x215: {  	v33 =	vshll.u32 v60, $0x1  }
0x216: {  	v32 =	vadd.s32 v32, v33  }
0x217: {  	v32 =	vadd.s32 v61, v32  }
0x218: {  	[tilespmem:$0x3C60] =	vst v32  }
0x219: {  	v32 =	vld [tilespmem:s6+$0x170]  }
0x21a: {  	v62 =	vld [tilespmem:s6+$0x1570];
	_ =	sdelay $0x1  }
0x21b: {  	v63 =	vld [tilespmem:s6+$0x2970];
	_ =	sdelay $0x1  }
0x21c: {  	v32 =	vmul.u32 $0xC, v32  }
.Ltmp8:
0x21d: {  	v33 =	vshll.u32 v62, $0x1;
	(pc) =	sbr.rel .LBB2_10-.Ltmp8, $4  }
0x21e: {  	v32 =	vadd.s32 v32, v33  }
0x21f: {  	v32 =	vadd.s32 v63, v32  }
0x220: {  	[tilespmem:$0x3C70] =	vst v32  }
0x221: {  	[tilespmem:s29], [sflag:$0x1] =	stream.indirect.gather [spmem:s3], $0x100, s28, s26, $0xb8;
	[tilespmem:$0x189C0] =	vst v63  }
.LBB2_12:
0x222: {  	_ =	sfence.sel $0x180000  }
0x223: {  	[bflag:$0x0] =	sbarrier.arrive $0xFFFF  }
0x224: {  	_ =	strace $0x90000047  }
0x225: {  	s0 =	stileid.u32;
	[bflag:$0x2] =	sbarrier.arrive $0xFFFF  }
0x226: {  	p0 =	sne.s32 s0, $0x0;
	s0 =	rddreg [dreg:$0x6]  }
0x227: {  	s0 =	sadd.s32 @!p0 $0x100000, s0  }
0x228: {  	[sflag:s0] =	ssyncadd.tile.s32 @!p0 $0x1;
	_ =	shalt  }
.Lfunc_end2:
_tile_overlayer_lowered:
.L_overlay_start_2:
0x229: {  	(tag) =	ssettag $0x2  }
0x22a: {  	s0 =	rddreg [dreg:$0x0];
	s2 =	stileid.u32  }
0x22b: {  	s1 =	rddreg [dreg:$0x1];
	p0 =	sne.s32 s2, $0x0  }
0x22c: {  	s3 =	rddreg [dreg:$0x2];
	[bflag:$0x3] =	sbarrier.arrive $0xFFFF;
	s2 =	simm.s32 @!p0 $0x1C05  }
0x22d: {  	[timem:s3], [sflag:s2] =	dma.local @!p0 [hbm:s0], s1  }
0x22e: {  	s0 =	simm.s32 @!p0 $0x5  }
0x22f: {  	_ =	swait.ge @!p0 [sflag:s0], s1  }
0x230: {  	s1 =	ssub.s32 @!p0 $0x0, s1;
	[sflag:s0] =	ssyncset.done @!p0 $0x0  }
0x231: {  	[sflag:s0] =	ssyncadd.s32 @!p0 s1  }
0x232: {  	[bflag:$0x3] =	sbarrier.arrive $0xFFFF  }
0x233: {  	_ =	shalt  }

</sc_bundles>
